<compile_context>
chip_gen: v7x
topology: tpu7x:2x2x1
jax: 0.10.2.dev20260603
libtpu: 0.0.44.dev20260713+nightly
codegen_flags: <defaults>
</compile_context>

<pallas_src>
import functools

import jax
import jax.numpy as jnp
from jax import lax
from jax.experimental import pallas as pl
from jax.experimental.pallas import tpu as pltpu
from jax.experimental.pallas import tpu_sc as plsc

N = 10000
D = 128
OUT = 128
H = 8
HS = OUT // H

NC, NS = 2, 16
NT = 10240
RT = NT // NS
E = 160000
EP = 163840
EW = EP // (NC * NS)
K = 128
NCH = EW // K



RB = 2048
EB = 8000


def _proj_body(nf_ref, hd_ref, wa_ref, ba_ref, wvs_ref, bvs_ref,
               att_ref, val_ref, skip_ref):
    z = jnp.concatenate([nf_ref[...], hd_ref[...]], axis=-1)
    att_ref[...] = z @ wa_ref[...] + ba_ref[...]
    vs = z @ wvs_ref[...] + bvs_ref[...]
    val_ref[...] = vs[:, :OUT]
    skip_ref[...] = vs[:, OUT:]


def _row_spec(w):
    return pl.BlockSpec((RB, w), lambda i: (i, 0))


def _full_spec(shape):
    return pl.BlockSpec(shape, lambda i: tuple(0 for _ in shape))


def _proj(nf, hd, Wa, ba, Wvs, bvs):
    return pl.pallas_call(
        _proj_body,
        grid=(NT // RB,),
        in_specs=[
            _row_spec(D), _row_spec(D),
            _full_spec((2 * D, 32)), _full_spec((1, 32)),
            _full_spec((2 * D, 2 * OUT)), _full_spec((1, 2 * OUT)),
        ],
        out_specs=[_row_spec(32), _row_spec(OUT), _row_spec(OUT)],
        out_shape=[
            jax.ShapeDtypeStruct((NT, 32), jnp.float32),
            jax.ShapeDtypeStruct((NT, OUT), jnp.float32),
            jax.ShapeDtypeStruct((NT, OUT), jnp.float32),
        ],
    )(nf, hd, Wa, ba, Wvs, bvs)


def _ae_body(ef_ref, w_ref, b_ref, out_ref):
    out_ref[...] = ef_ref[...] @ w_ref[...] + b_ref[...]


def _ae_proj(ef, Wae, bae):
    return pl.pallas_call(
        _ae_body,
        grid=(E // EB,),
        in_specs=[
            pl.BlockSpec((EB, 16), lambda i: (i, 0)),
            _full_spec((16, 16)), _full_spec((1, 16)),
        ],
        out_specs=pl.BlockSpec((EB, 16), lambda i: (i, 0)),
        out_shape=jax.ShapeDtypeStruct((E, 16), jnp.float32),
    )(ef, Wae, bae)


def _bridge_body(nf_ref, u_ref, den_ref, skip_ref, ex_ref,
                 wa_ref, ba_ref, wvs_ref, bvs_ref,
                 att_ref, val_ref, skip2_ref):
    den128 = (den_ref[0, :, 0:8] + den_ref[1, :, 0:8]) @ ex_ref[...]
    h = jnp.maximum((u_ref[0] + u_ref[1]) / den128 + skip_ref[...], 0.0)
    z = jnp.concatenate([nf_ref[...], h], axis=-1)
    att_ref[...] = z @ wa_ref[...] + ba_ref[...]
    vs = z @ wvs_ref[...] + bvs_ref[...]
    val_ref[...] = vs[:, :OUT]
    skip2_ref[...] = vs[:, OUT:]


def _pair_spec(w):
    return pl.BlockSpec((NC, RB, w), lambda i: (0, i, 0))


def _bridge(nf, u, den, skip, ex, Wa, ba, Wvs, bvs):
    return pl.pallas_call(
        _bridge_body,
        grid=(NT // RB,),
        in_specs=[
            _row_spec(D), _pair_spec(OUT), _pair_spec(16), _row_spec(OUT),
            _full_spec((H, OUT)),
            _full_spec((2 * D, 32)), _full_spec((1, 32)),
            _full_spec((2 * D, 2 * OUT)), _full_spec((1, 2 * OUT)),
        ],
        out_specs=[_row_spec(32), _row_spec(OUT), _row_spec(OUT)],
        out_shape=[
            jax.ShapeDtypeStruct((NT, 32), jnp.float32),
            jax.ShapeDtypeStruct((NT, OUT), jnp.float32),
            jax.ShapeDtypeStruct((NT, OUT), jnp.float32),
        ],
    )(nf, u, den, skip, ex, Wa, ba, Wvs, bvs)


def _final_body(u_ref, den_ref, skip_ref, ex_ref, out_ref):
    den128 = (den_ref[0, :, 0:8] + den_ref[1, :, 0:8]) @ ex_ref[...]
    out_ref[...] = jnp.maximum((u_ref[0] + u_ref[1]) / den128 + skip_ref[...], 0.0)


def _final(u, den, skip, ex):
    return pl.pallas_call(
        _final_body,
        grid=(NT // RB,),
        in_specs=[_pair_spec(OUT), _pair_spec(16), _row_spec(OUT),
                  _full_spec((H, OUT))],
        out_specs=_row_spec(OUT),
        out_shape=jax.ShapeDtypeStruct((NT, OUT), jnp.float32),
    )(u, den, skip, ex)



def _sc_body(swap_roles, has_ae, *refs):
    if has_ae:
        (att_hbm, val_hbm, src_hbm, tgt_hbm, ae_hbm, u_out, den_out,
         u_sh, den_sh,
         idxS, idxT, aS, aT, aeb, pbuf, vrows, zden,
         sem_a, sem_b, sem_v) = refs
    else:
        (att_hbm, val_hbm, src_hbm, tgt_hbm, u_out, den_out,
         u_sh, den_sh,
         idxS, idxT, aS, aT, pbuf, vrows, zden,
         sem_a, sem_b, sem_v) = refs
        ae_hbm = aeb = None

    c = lax.axis_index("c")
    s = lax.axis_index("s")
    wid = c * NS + s
    row0 = s * RT
    zv = jnp.zeros((16,), jnp.float32)

    def zrow(i, _):
        for j in range(8):
            vrows[i, pl.ds(16 * j, 16)] = zv
        zden[i, :] = zv
        return 0
    lax.fori_loop(0, K, zrow, 0)
    for b in range(RT // K):
        pltpu.sync_copy(vrows, u_sh.at[pl.ds(row0 + b * K, K)])
        pltpu.sync_copy(zden, den_sh.at[pl.ds(row0 + b * K, K)])
    plsc.subcore_barrier()

    def chunk(j, _):
        base = wid * EW + j * K
        pltpu.sync_copy(src_hbm.at[pl.ds(base, K)], idxS)
        pltpu.sync_copy(tgt_hbm.at[pl.ds(base, K)], idxT)
        cpv = pltpu.async_copy(val_hbm.at[idxS], vrows, sem_v)
        cpa = pltpu.async_copy(att_hbm.at[idxS], aS, sem_a)
        cpb = pltpu.async_copy(att_hbm.at[idxT], aT, sem_b)
        if has_ae:
            pltpu.sync_copy(ae_hbm.at[pl.ds(base, K)], aeb)
        cpa.wait()
        cpb.wait()

        def pcalc(e, _):
            if swap_roles:
                x = aT[e, pl.ds(0, 16)] + aS[e, pl.ds(16, 16)]
            else:
                x = aS[e, pl.ds(0, 16)] + aT[e, pl.ds(16, 16)]
            if has_ae:
                x = x + aeb[e, :]
            x = jnp.where(x > 0, x, 0.01 * x)
            pbuf[e, :] = jnp.exp(x)
            return 0
        lax.fori_loop(0, K, pcalc, 0)
        pltpu.sync_copy(pbuf, den_sh.at[idxT], add=True)

        cpv.wait()

        def scale(e, _):
            pv = pbuf[e, :]
            for h in range(H):
                w = jnp.broadcast_to(pv[h], (16,))
                vrows[e, pl.ds(HS * h, HS)] = vrows[e, pl.ds(HS * h, HS)] * w
            return 0
        lax.fori_loop(0, K, scale, 0)
        pltpu.sync_copy(vrows, u_sh.at[idxT], add=True)
        return 0

    lax.fori_loop(0, NCH, chunk, 0)
    plsc.subcore_barrier()

    pltpu.sync_copy(u_sh.at[pl.ds(row0, RT)], u_out.at[c, pl.ds(row0, RT)])
    pltpu.sync_copy(den_sh.at[pl.ds(row0, RT)], den_out.at[c, pl.ds(row0, RT)])


def _make_sc_phase(swap_roles, has_ae):
    scratch = [
        pltpu.VMEM_SHARED((NT, OUT), jnp.float32),
        pltpu.VMEM_SHARED((NT, 16), jnp.float32),
        pltpu.VMEM((K,), jnp.int32),
        pltpu.VMEM((K,), jnp.int32),
        pltpu.VMEM((K, 32), jnp.float32),
        pltpu.VMEM((K, 32), jnp.float32),
    ]
    if has_ae:
        scratch.append(pltpu.VMEM((K, 16), jnp.float32))
    scratch += [
        pltpu.VMEM((K, 16), jnp.float32),
        pltpu.VMEM((K, OUT), jnp.float32),
        pltpu.VMEM((K, 16), jnp.float32),
        pltpu.SemaphoreType.DMA,
        pltpu.SemaphoreType.DMA,
        pltpu.SemaphoreType.DMA,
    ]
    return pl.kernel(
        functools.partial(_sc_body, swap_roles, has_ae),
        out_type=[
            jax.ShapeDtypeStruct((NC, NT, OUT), jnp.float32),
            jax.ShapeDtypeStruct((NC, NT, 16), jnp.float32),
        ],
        mesh=plsc.VectorSubcoreMesh(core_axis_name="c", subcore_axis_name="s"),
        scratch_types=scratch,
        compiler_params=pltpu.CompilerParams(use_tc_tiling_on_sc=False),
    )


_sc_phase1 = _make_sc_phase(swap_roles=False, has_ae=False)
_sc_phase2 = _make_sc_phase(swap_roles=True, has_ae=True)



def kernel(node_fts, gkt_edge_fts, hidden, cfg_indices_padded, gkt_indices_padded,
           W_m, b_m, W_skip, b_skip, W_a1, b_a1, W_a2, b_a2, W_ae, b_ae):
    nf = jnp.pad(node_fts[0], ((0, NT - N), (0, 0)))
    hd = jnp.pad(hidden[0], ((0, NT - N), (0, 0)))

    def pad_idx(ix):
        return jnp.pad(ix, (0, EP - E), constant_values=N)

    cfg_src = pad_idx(cfg_indices_padded[0, :, 0])
    cfg_tgt = pad_idx(cfg_indices_padded[0, :, 1])
    gkt_src = pad_idx(gkt_indices_padded[0, :, 0])
    gkt_tgt = pad_idx(gkt_indices_padded[0, :, 1])

    zpad8 = jnp.zeros((2 * D, 8), jnp.float32)
    Wa = jnp.concatenate([W_a1, zpad8, W_a2, zpad8], axis=1)
    ba = jnp.concatenate([b_a1, jnp.zeros(8, jnp.float32),
                          b_a2, jnp.zeros(8, jnp.float32)])[None]
    Wvs = jnp.concatenate([W_m, W_skip], axis=1)
    bvs = jnp.concatenate([b_m, b_skip])[None]
    Wae = jnp.pad(W_ae, ((0, 0), (0, 8)))
    bae = jnp.pad(b_ae, (0, 8))[None]
    ex = jnp.repeat(jnp.eye(H, dtype=jnp.float32), HS, axis=1)

    ae = _ae_proj(gkt_edge_fts[0], Wae, bae)
    ae = jnp.pad(ae, ((0, EP - E), (0, 0)))

    att, values, skip = _proj(nf, hd, Wa, ba, Wvs, bvs)
    u, den = _sc_phase1(att, values, cfg_src, cfg_tgt)

    att2, values2, skip2 = _bridge(nf, u, den, skip, ex, Wa, ba, Wvs, bvs)

    u2, den2 = _sc_phase2(att2, values2, gkt_src, gkt_tgt, ae)
    ret = _final(u2, den2, skip2, ex)
    return ret[:N][None]

# --- scband reference (transcript-rebuilt; emitter-appended) ---
"""Pipeline reference for scband-gatsparse-627065225300 (READ-ONLY COPY).

The authoritative reference and input builder live on the scoring server;
editing this copy changes nothing except your own understanding.
"""

import jax, jax.numpy as jnp
import numpy as np

B, N, E_CFG, E_GKT, D, DE = 1, 10000, 160000, 160000, 128, 16
OUT, H = 128, 8
HS = OUT // H


def _seg_softmax(logits, seg, num_segments):
    smax = jax.ops.segment_max(logits, seg, num_segments)
    shifted = logits - smax[seg]
    e = jnp.exp(shifted)
    s = jax.ops.segment_sum(e, seg, num_segments)
    return e / s[seg]


def setup_inputs(seed: int = 0) -> dict:
    key = jax.random.key(seed)
    ks = jax.random.split(key, 16)
    node_fts = jax.random.normal(ks[0], (B, N, D), dtype=jnp.float32)
    hidden = jax.random.normal(ks[1], (B, N, D), dtype=jnp.float32)
    gkt_edge_fts = jax.random.normal(ks[2], (B, E_GKT, DE), dtype=jnp.float32)
    cfg_indices_padded = jax.random.randint(ks[3], (B, E_CFG, 2), 0, N, dtype=jnp.int32)
    gkt_indices_padded = jax.random.randint(ks[4], (B, E_GKT, 2), 0, N, dtype=jnp.int32)
    zin = 2 * D
    s1 = 1.0 / np.sqrt(zin)
    W_m = jax.random.normal(ks[5], (zin, OUT), dtype=jnp.float32) * s1
    b_m = jnp.zeros((OUT,), dtype=jnp.float32)
    W_skip = jax.random.normal(ks[6], (zin, OUT), dtype=jnp.float32) * s1
    b_skip = jnp.zeros((OUT,), dtype=jnp.float32)
    W_a1 = jax.random.normal(ks[7], (zin, H), dtype=jnp.float32) * s1
    b_a1 = jnp.zeros((H,), dtype=jnp.float32)
    W_a2 = jax.random.normal(ks[8], (zin, H), dtype=jnp.float32) * s1
    b_a2 = jnp.zeros((H,), dtype=jnp.float32)
    W_ae = jax.random.normal(ks[9], (DE, H), dtype=jnp.float32) * (1.0 / np.sqrt(DE))
    b_ae = jnp.zeros((H,), dtype=jnp.float32)
    return dict(node_fts=node_fts, gkt_edge_fts=gkt_edge_fts, hidden=hidden,
                cfg_indices_padded=cfg_indices_padded, gkt_indices_padded=gkt_indices_padded,
                W_m=W_m, b_m=b_m, W_skip=W_skip, b_skip=b_skip,
                W_a1=W_a1, b_a1=b_a1, W_a2=W_a2, b_a2=b_a2, W_ae=W_ae, b_ae=b_ae)


def reference(node_fts, gkt_edge_fts, hidden, cfg_indices_padded, gkt_indices_padded,
              W_m, b_m, W_skip, b_skip, W_a1, b_a1, W_a2, b_a2, W_ae, b_ae):
    nb_nodes = node_fts.shape[-2]
    nb_cfg_edges = cfg_indices_padded.shape[-2]
    nb_gkt_edges = gkt_indices_padded.shape[-2]
    cfg_src = cfg_indices_padded[..., 0]
    cfg_tgt = cfg_indices_padded[..., 1]
    gkt_src = gkt_indices_padded[..., 0]
    gkt_tgt = gkt_indices_padded[..., 1]
    # ---- cfg message passing ----
    cfg_z = jnp.concatenate([node_fts, hidden], axis=-1)
    cfg_att_1 = cfg_z @ W_a1 + b_a1
    cfg_att_2 = cfg_z @ W_a2 + b_a2
    cfg_logits = (jnp.take_along_axis(cfg_att_1, cfg_src[..., None], axis=1)
                  + jnp.take_along_axis(cfg_att_2, cfg_tgt[..., None], axis=1))
    cfg_coefs = jax.vmap(lambda l, s: _seg_softmax(l, s, nb_cfg_edges))(
        jax.nn.leaky_relu(cfg_logits), cfg_tgt)
    cfg_values = (cfg_z @ W_m + b_m).reshape(cfg_z.shape[0], nb_nodes, H, HS)
    cfg_values_source = jnp.take_along_axis(cfg_values, cfg_src[..., None, None], axis=1)
    cfg_msgs = cfg_coefs[..., None] * cfg_values_source
    cfg_hidden = jax.vmap(lambda d, s: jax.ops.segment_sum(d, s, nb_nodes))(cfg_msgs, cfg_tgt)
    cfg_hidden = cfg_hidden.reshape(cfg_hidden.shape[:-2] + (OUT,))
    cfg_hidden = cfg_hidden + (cfg_z @ W_skip + b_skip)  # residual
    cfg_hidden = jax.nn.relu(cfg_hidden)                  # activation
    # ---- gkt message passing (shares m, skip, a_1, a_2) ----
    gkt_z = jnp.concatenate([node_fts, cfg_hidden], axis=-1)
    gkt_att_1 = gkt_z @ W_a1 + b_a1
    gkt_att_2 = gkt_z @ W_a2 + b_a2
    gkt_att_e = gkt_edge_fts @ W_ae + b_ae
    gkt_logits = (jnp.take_along_axis(gkt_att_1, gkt_tgt[..., None], axis=1)
                  + jnp.take_along_axis(gkt_att_2, gkt_src[..., None], axis=1)
                  + gkt_att_e)
    gkt_coefs = jax.vmap(lambda l, s: _seg_softmax(l, s, nb_gkt_edges))(
        jax.nn.leaky_relu(gkt_logits), gkt_tgt)
    gkt_values = (gkt_z @ W_m + b_m).reshape(gkt_z.shape[0], nb_nodes, H, HS)
    gkt_values_source = jnp.take_along_axis(gkt_values, gkt_src[..., None, None], axis=1)
    ret = gkt_coefs[..., None] * gkt_values_source
    ret = jax.vmap(lambda d, s: jax.ops.segment_sum(d, s, nb_nodes))(ret, gkt_tgt)
    ret = ret.reshape(ret.shape[:-2] + (OUT,))
    ret = ret + (gkt_z @ W_skip + b_skip)  # residual
    ret = jax.nn.relu(ret)                  # activation
    return ret

if __name__ == "__main__":
    import jax
    _d = setup_inputs()
    print(jax.jit(kernel)(*tuple(_d.values())))

</pallas_src>

<mosaic_0001>
#map = affine_map<(d0, d1) -> (0, 0)>
#map1 = affine_map<(d0, d1) -> (0)>
#map2 = affine_map<(d0, d1) -> (0, 0, 0)>
module attributes {stable_mosaic.version = 14 : i64} {
  func.func @_sc_body(%arg0: i32, %arg1: i32, %arg2: memref<10240x32xf32, #tpu.memory_space<hbm>>, %arg3: memref<10240x128xf32, #tpu.memory_space<hbm>>, %arg4: memref<163840xi32, #tpu.memory_space<hbm>>, %arg5: memref<163840xi32, #tpu.memory_space<hbm>>, %arg6: memref<2x10240x128xf32, #tpu.memory_space<hbm>>, %arg7: memref<2x10240x16xf32, #tpu.memory_space<hbm>>, %arg8: memref<10240x128xf32, #tpu.memory_space<vmem_shared>>, %arg9: memref<10240x16xf32, #tpu.memory_space<vmem_shared>>, %arg10: memref<128xi32, #tpu.memory_space<vmem>>, %arg11: memref<128xi32, #tpu.memory_space<vmem>>, %arg12: memref<128x32xf32, #tpu.memory_space<vmem>>, %arg13: memref<128x32xf32, #tpu.memory_space<vmem>>, %arg14: memref<128x16xf32, #tpu.memory_space<vmem>>, %arg15: memref<128x128xf32, #tpu.memory_space<vmem>>, %arg16: memref<128x16xf32, #tpu.memory_space<vmem>>, %arg17: memref<!tpu.dma_semaphore, #tpu.memory_space<semaphore_mem>>, %arg18: memref<!tpu.dma_semaphore, #tpu.memory_space<semaphore_mem>>, %arg19: memref<!tpu.dma_semaphore, #tpu.memory_space<semaphore_mem>>) attributes {dimension_semantics = [#tpu.dimension_semantics<core_parallel>, #tpu.dimension_semantics<subcore_parallel>], iteration_bounds = array<i64: 2, 16>, scalar_prefetch = 0 : i64, scratch_operands = 12 : i64, tpu.core_type = #tpu.core_type<sc_vector_subcore>, window_params = [{transform_indices = #map}, {transform_indices = #map}, {transform_indices = #map1}, {transform_indices = #map1}, {transform_indices = #map2}, {transform_indices = #map2}]} {
    %mul3A = arith.constant 16 : i32
    %mul3A_0 = arith.muli %arg0, %mul3A : i32
    %add3A = arith.addi %mul3A_0, %arg1 : i32
    %mul3A_1 = arith.constant 640 : i32
    %mul3A_2 = arith.muli %arg1, %mul3A_1 : i32
    %broadcast_in_dim3A = arith.constant 0.000000e+00 : f32
    %broadcast_in_dim3A_3 = vector.broadcast %broadcast_in_dim3A : f32 to vector<16xf32>
    %scan3A = arith.constant 0 : i32
    %scan3A_4 = arith.constant 0 : i32
    %scan3A_5 = arith.constant 128 : i32
    %scan3A_6 = arith.addi %scan3A_4, %scan3A_5 : i32
    %scan3A_7 = arith.constant 1 : i32
    %scan3A_8 = scf.for %scan3A_38 = %scan3A_4 to %scan3A_6 step %scan3A_7 iter_args(%scan3A_39 = %scan3A) -> (i32)  : i32 {
      %swap3A = arith.index_cast %scan3A_38 : i32 to index
      %swap3A_40 = arith.constant 0 : index
      %swap3A_41 = tpu.vector_load %arg15[%swap3A, %swap3A_40] {strides = array<i32>} : memref<128x128xf32, #tpu.memory_space<vmem>>, vector<1x16xf32>,
      %swap3A_42 = vector.shape_cast %swap3A_41 : vector<1x16xf32> to vector<16xf32>
      %swap3A_43 = vector.shape_cast %broadcast_in_dim3A_3 : vector<16xf32> to vector<1x16xf32>
      tpu.vector_store %arg15[%swap3A, %swap3A_40], %swap3A_43 {strides = array<i32>} : memref<128x128xf32, #tpu.memory_space<vmem>>, vector<1x16xf32>,
      %swap3A_44 = arith.index_cast %scan3A_38 : i32 to index
      %swap3A_45 = arith.constant 16 : index
      %swap3A_46 = tpu.vector_load %arg15[%swap3A_44, %swap3A_45] {strides = array<i32>} : memref<128x128xf32, #tpu.memory_space<vmem>>, vector<1x16xf32>,
      %swap3A_47 = vector.shape_cast %swap3A_46 : vector<1x16xf32> to vector<16xf32>
      %swap3A_48 = vector.shape_cast %broadcast_in_dim3A_3 : vector<16xf32> to vector<1x16xf32>
      tpu.vector_store %arg15[%swap3A_44, %swap3A_45], %swap3A_48 {strides = array<i32>} : memref<128x128xf32, #tpu.memory_space<vmem>>, vector<1x16xf32>,
      %swap3A_49 = arith.index_cast %scan3A_38 : i32 to index
      %swap3A_50 = arith.constant 32 : index
      %swap3A_51 = tpu.vector_load %arg15[%swap3A_49, %swap3A_50] {strides = array<i32>} : memref<128x128xf32, #tpu.memory_space<vmem>>, vector<1x16xf32>,
      %swap3A_52 = vector.shape_cast %swap3A_51 : vector<1x16xf32> to vector<16xf32>
      %swap3A_53 = vector.shape_cast %broadcast_in_dim3A_3 : vector<16xf32> to vector<1x16xf32>
      tpu.vector_store %arg15[%swap3A_49, %swap3A_50], %swap3A_53 {strides = array<i32>} : memref<128x128xf32, #tpu.memory_space<vmem>>, vector<1x16xf32>,
      %swap3A_54 = arith.index_cast %scan3A_38 : i32 to index
      %swap3A_55 = arith.constant 48 : index
      %swap3A_56 = tpu.vector_load %arg15[%swap3A_54, %swap3A_55] {strides = array<i32>} : memref<128x128xf32, #tpu.memory_space<vmem>>, vector<1x16xf32>,
      %swap3A_57 = vector.shape_cast %swap3A_56 : vector<1x16xf32> to vector<16xf32>
      %swap3A_58 = vector.shape_cast %broadcast_in_dim3A_3 : vector<16xf32> to vector<1x16xf32>
      tpu.vector_store %arg15[%swap3A_54, %swap3A_55], %swap3A_58 {strides = array<i32>} : memref<128x128xf32, #tpu.memory_space<vmem>>, vector<1x16xf32>,
      %swap3A_59 = arith.index_cast %scan3A_38 : i32 to index
      %swap3A_60 = arith.constant 64 : index
      %swap3A_61 = tpu.vector_load %arg15[%swap3A_59, %swap3A_60] {strides = array<i32>} : memref<128x128xf32, #tpu.memory_space<vmem>>, vector<1x16xf32>,
      %swap3A_62 = vector.shape_cast %swap3A_61 : vector<1x16xf32> to vector<16xf32>
      %swap3A_63 = vector.shape_cast %broadcast_in_dim3A_3 : vector<16xf32> to vector<1x16xf32>
      tpu.vector_store %arg15[%swap3A_59, %swap3A_60], %swap3A_63 {strides = array<i32>} : memref<128x128xf32, #tpu.memory_space<vmem>>, vector<1x16xf32>,
      %swap3A_64 = arith.index_cast %scan3A_38 : i32 to index
      %swap3A_65 = arith.constant 80 : index
      %swap3A_66 = tpu.vector_load %arg15[%swap3A_64, %swap3A_65] {strides = array<i32>} : memref<128x128xf32, #tpu.memory_space<vmem>>, vector<1x16xf32>,
      %swap3A_67 = vector.shape_cast %swap3A_66 : vector<1x16xf32> to vector<16xf32>
      %swap3A_68 = vector.shape_cast %broadcast_in_dim3A_3 : vector<16xf32> to vector<1x16xf32>
      tpu.vector_store %arg15[%swap3A_64, %swap3A_65], %swap3A_68 {strides = array<i32>} : memref<128x128xf32, #tpu.memory_space<vmem>>, vector<1x16xf32>,
      %swap3A_69 = arith.index_cast %scan3A_38 : i32 to index
      %swap3A_70 = arith.constant 96 : index
      %swap3A_71 = tpu.vector_load %arg15[%swap3A_69, %swap3A_70] {strides = array<i32>} : memref<128x128xf32, #tpu.memory_space<vmem>>, vector<1x16xf32>,
      %swap3A_72 = vector.shape_cast %swap3A_71 : vector<1x16xf32> to vector<16xf32>
      %swap3A_73 = vector.shape_cast %broadcast_in_dim3A_3 : vector<16xf32> to vector<1x16xf32>
      tpu.vector_store %arg15[%swap3A_69, %swap3A_70], %swap3A_73 {strides = array<i32>} : memref<128x128xf32, #tpu.memory_space<vmem>>, vector<1x16xf32>,
      %swap3A_74 = arith.index_cast %scan3A_38 : i32 to index
      %swap3A_75 = arith.constant 112 : index
      %swap3A_76 = tpu.vector_load %arg15[%swap3A_74, %swap3A_75] {strides = array<i32>} : memref<128x128xf32, #tpu.memory_space<vmem>>, vector<1x16xf32>,
      %swap3A_77 = vector.shape_cast %swap3A_76 : vector<1x16xf32> to vector<16xf32>
      %swap3A_78 = vector.shape_cast %broadcast_in_dim3A_3 : vector<16xf32> to vector<1x16xf32>
      tpu.vector_store %arg15[%swap3A_74, %swap3A_75], %swap3A_78 {strides = array<i32>} : memref<128x128xf32, #tpu.memory_space<vmem>>, vector<1x16xf32>,
      %swap3A_79 = arith.index_cast %scan3A_38 : i32 to index
      %swap3A_80 = arith.constant 0 : index
      %swap3A_81 = tpu.vector_load %arg16[%swap3A_79, %swap3A_80] {strides = array<i32>} : memref<128x16xf32, #tpu.memory_space<vmem>>, vector<1x16xf32>,
      %swap3A_82 = vector.shape_cast %swap3A_81 : vector<1x16xf32> to vector<16xf32>
      %swap3A_83 = vector.shape_cast %broadcast_in_dim3A_3 : vector<16xf32> to vector<1x16xf32>
      tpu.vector_store %arg16[%swap3A_79, %swap3A_80], %swap3A_83 {strides = array<i32>} : memref<128x16xf32, #tpu.memory_space<vmem>>, vector<1x16xf32>,
      %scan3A_84 = arith.constant 0 : i32
      scf.yield %scan3A_84 : i32
    }
    %scan3A_9 = arith.constant 128 : i32
    %add3A_10 = arith.constant 0 : i32
    %add3A_11 = arith.addi %mul3A_2, %add3A_10 : i32
    "tpu.region"() ({
      %run_scoped3A = tpu.sem_alloc : memref<!tpu.dma_semaphore, #tpu.memory_space<semaphore_mem>>
      %dma_start3A = arith.constant 0 : i32
      %dma_start3A_38 = tpu.memref_slice %arg8[%add3A_11, %dma_start3A] : memref<10240x128xf32, #tpu.memory_space<vmem_shared>> -> memref<128x128xf32, #tpu.memory_space<vmem_shared>>
      %dma_start3A_39 = arith.constant 0 : i32
      %dma_start3A_40 = tpu.memref_slice %arg8[%add3A_11, %dma_start3A_39] : memref<10240x128xf32, #tpu.memory_space<vmem_shared>> -> memref<128x128xf32, #tpu.memory_space<vmem_shared>>
      tpu.enqueue_dma source(%arg15 : memref<128x128xf32, #tpu.memory_space<vmem>>) target(%dma_start3A_40 : memref<128x128xf32, #tpu.memory_space<vmem_shared>>) target_semaphore(%run_scoped3A : memref<!tpu.dma_semaphore, #tpu.memory_space<semaphore_mem>>)
      %dma_wait3A = arith.constant 0 : i32
      %dma_wait3A_41 = tpu.memref_slice %arg8[%add3A_11, %dma_wait3A] : memref<10240x128xf32, #tpu.memory_space<vmem_shared>> -> memref<128x128xf32, #tpu.memory_space<vmem_shared>>
      %dma_wait3A_42 = arith.constant 0 : i32
      %dma_wait3A_43 = tpu.memref_slice %arg8[%add3A_11, %dma_wait3A_42] : memref<10240x128xf32, #tpu.memory_space<vmem_shared>> -> memref<128x128xf32, #tpu.memory_space<vmem_shared>>
      tpu.wait_dma2 semaphore(%run_scoped3A : memref<!tpu.dma_semaphore, #tpu.memory_space<semaphore_mem>>) src(%arg15 : memref<128x128xf32, #tpu.memory_space<vmem>>) dst(%dma_wait3A_43 : memref<128x128xf32, #tpu.memory_space<vmem_shared>>)
      tpu.yield
    }) : () -> ()
    %add3A_12 = arith.constant 0 : i32
    %add3A_13 = arith.addi %mul3A_2, %add3A_12 : i32
    "tpu.region"() ({
      %run_scoped3A = tpu.sem_alloc : memref<!tpu.dma_semaphore, #tpu.memory_space<semaphore_mem>>
      %dma_start3A = arith.constant 0 : i32
      %dma_start3A_38 = tpu.memref_slice %arg9[%add3A_13, %dma_start3A] : memref<10240x16xf32, #tpu.memory_space<vmem_shared>> -> memref<128x16xf32, #tpu.memory_space<vmem_shared>>
      %dma_start3A_39 = arith.constant 0 : i32
      %dma_start3A_40 = tpu.memref_slice %arg9[%add3A_13, %dma_start3A_39] : memref<10240x16xf32, #tpu.memory_space<vmem_shared>> -> memref<128x16xf32, #tpu.memory_space<vmem_shared>>
      tpu.enqueue_dma source(%arg16 : memref<128x16xf32, #tpu.memory_space<vmem>>) target(%dma_start3A_40 : memref<128x16xf32, #tpu.memory_space<vmem_shared>>) target_semaphore(%run_scoped3A : memref<!tpu.dma_semaphore, #tpu.memory_space<semaphore_mem>>)
      %dma_wait3A = arith.constant 0 : i32
      %dma_wait3A_41 = tpu.memref_slice %arg9[%add3A_13, %dma_wait3A] : memref<10240x16xf32, #tpu.memory_space<vmem_shared>> -> memref<128x16xf32, #tpu.memory_space<vmem_shared>>
      %dma_wait3A_42 = arith.constant 0 : i32
      %dma_wait3A_43 = tpu.memref_slice %arg9[%add3A_13, %dma_wait3A_42] : memref<10240x16xf32, #tpu.memory_space<vmem_shared>> -> memref<128x16xf32, #tpu.memory_space<vmem_shared>>
      tpu.wait_dma2 semaphore(%run_scoped3A : memref<!tpu.dma_semaphore, #tpu.memory_space<semaphore_mem>>) src(%arg16 : memref<128x16xf32, #tpu.memory_space<vmem>>) dst(%dma_wait3A_43 : memref<128x16xf32, #tpu.memory_space<vmem_shared>>)
      tpu.yield
    }) : () -> ()
    %add3A_14 = arith.constant 128 : i32
    %add3A_15 = arith.addi %mul3A_2, %add3A_14 : i32
    "tpu.region"() ({
      %run_scoped3A = tpu.sem_alloc : memref<!tpu.dma_semaphore, #tpu.memory_space<semaphore_mem>>
      %dma_start3A = arith.constant 0 : i32
      %dma_start3A_38 = tpu.memref_slice %arg8[%add3A_15, %dma_start3A] : memref<10240x128xf32, #tpu.memory_space<vmem_shared>> -> memref<128x128xf32, #tpu.memory_space<vmem_shared>>
      %dma_start3A_39 = arith.constant 0 : i32
      %dma_start3A_40 = tpu.memref_slice %arg8[%add3A_15, %dma_start3A_39] : memref<10240x128xf32, #tpu.memory_space<vmem_shared>> -> memref<128x128xf32, #tpu.memory_space<vmem_shared>>
      tpu.enqueue_dma source(%arg15 : memref<128x128xf32, #tpu.memory_space<vmem>>) target(%dma_start3A_40 : memref<128x128xf32, #tpu.memory_space<vmem_shared>>) target_semaphore(%run_scoped3A : memref<!tpu.dma_semaphore, #tpu.memory_space<semaphore_mem>>)
      %dma_wait3A = arith.constant 0 : i32
      %dma_wait3A_41 = tpu.memref_slice %arg8[%add3A_15, %dma_wait3A] : memref<10240x128xf32, #tpu.memory_space<vmem_shared>> -> memref<128x128xf32, #tpu.memory_space<vmem_shared>>
      %dma_wait3A_42 = arith.constant 0 : i32
      %dma_wait3A_43 = tpu.memref_slice %arg8[%add3A_15, %dma_wait3A_42] : memref<10240x128xf32, #tpu.memory_space<vmem_shared>> -> memref<128x128xf32, #tpu.memory_space<vmem_shared>>
      tpu.wait_dma2 semaphore(%run_scoped3A : memref<!tpu.dma_semaphore, #tpu.memory_space<semaphore_mem>>) src(%arg15 : memref<128x128xf32, #tpu.memory_space<vmem>>) dst(%dma_wait3A_43 : memref<128x128xf32, #tpu.memory_space<vmem_shared>>)
      tpu.yield
    }) : () -> ()
    %add3A_16 = arith.constant 128 : i32
    %add3A_17 = arith.addi %mul3A_2, %add3A_16 : i32
    "tpu.region"() ({
      %run_scoped3A = tpu.sem_alloc : memref<!tpu.dma_semaphore, #tpu.memory_space<semaphore_mem>>
      %dma_start3A = arith.constant 0 : i32
      %dma_start3A_38 = tpu.memref_slice %arg9[%add3A_17, %dma_start3A] : memref<10240x16xf32, #tpu.memory_space<vmem_shared>> -> memref<128x16xf32, #tpu.memory_space<vmem_shared>>
      %dma_start3A_39 = arith.constant 0 : i32
      %dma_start3A_40 = tpu.memref_slice %arg9[%add3A_17, %dma_start3A_39] : memref<10240x16xf32, #tpu.memory_space<vmem_shared>> -> memref<128x16xf32, #tpu.memory_space<vmem_shared>>
      tpu.enqueue_dma source(%arg16 : memref<128x16xf32, #tpu.memory_space<vmem>>) target(%dma_start3A_40 : memref<128x16xf32, #tpu.memory_space<vmem_shared>>) target_semaphore(%run_scoped3A : memref<!tpu.dma_semaphore, #tpu.memory_space<semaphore_mem>>)
      %dma_wait3A = arith.constant 0 : i32
      %dma_wait3A_41 = tpu.memref_slice %arg9[%add3A_17, %dma_wait3A] : memref<10240x16xf32, #tpu.memory_space<vmem_shared>> -> memref<128x16xf32, #tpu.memory_space<vmem_shared>>
      %dma_wait3A_42 = arith.constant 0 : i32
      %dma_wait3A_43 = tpu.memref_slice %arg9[%add3A_17, %dma_wait3A_42] : memref<10240x16xf32, #tpu.memory_space<vmem_shared>> -> memref<128x16xf32, #tpu.memory_space<vmem_shared>>
      tpu.wait_dma2 semaphore(%run_scoped3A : memref<!tpu.dma_semaphore, #tpu.memory_space<semaphore_mem>>) src(%arg16 : memref<128x16xf32, #tpu.memory_space<vmem>>) dst(%dma_wait3A_43 : memref<128x16xf32, #tpu.memory_space<vmem_shared>>)
      tpu.yield
    }) : () -> ()
    %add3A_18 = arith.constant 256 : i32
    %add3A_19 = arith.addi %mul3A_2, %add3A_18 : i32
    "tpu.region"() ({
      %run_scoped3A = tpu.sem_alloc : memref<!tpu.dma_semaphore, #tpu.memory_space<semaphore_mem>>
      %dma_start3A = arith.constant 0 : i32
      %dma_start3A_38 = tpu.memref_slice %arg8[%add3A_19, %dma_start3A] : memref<10240x128xf32, #tpu.memory_space<vmem_shared>> -> memref<128x128xf32, #tpu.memory_space<vmem_shared>>
      %dma_start3A_39 = arith.constant 0 : i32
      %dma_start3A_40 = tpu.memref_slice %arg8[%add3A_19, %dma_start3A_39] : memref<10240x128xf32, #tpu.memory_space<vmem_shared>> -> memref<128x128xf32, #tpu.memory_space<vmem_shared>>
      tpu.enqueue_dma source(%arg15 : memref<128x128xf32, #tpu.memory_space<vmem>>) target(%dma_start3A_40 : memref<128x128xf32, #tpu.memory_space<vmem_shared>>) target_semaphore(%run_scoped3A : memref<!tpu.dma_semaphore, #tpu.memory_space<semaphore_mem>>)
      %dma_wait3A = arith.constant 0 : i32
      %dma_wait3A_41 = tpu.memref_slice %arg8[%add3A_19, %dma_wait3A] : memref<10240x128xf32, #tpu.memory_space<vmem_shared>> -> memref<128x128xf32, #tpu.memory_space<vmem_shared>>
      %dma_wait3A_42 = arith.constant 0 : i32
      %dma_wait3A_43 = tpu.memref_slice %arg8[%add3A_19, %dma_wait3A_42] : memref<10240x128xf32, #tpu.memory_space<vmem_shared>> -> memref<128x128xf32, #tpu.memory_space<vmem_shared>>
      tpu.wait_dma2 semaphore(%run_scoped3A : memref<!tpu.dma_semaphore, #tpu.memory_space<semaphore_mem>>) src(%arg15 : memref<128x128xf32, #tpu.memory_space<vmem>>) dst(%dma_wait3A_43 : memref<128x128xf32, #tpu.memory_space<vmem_shared>>)
      tpu.yield
    }) : () -> ()
    %add3A_20 = arith.constant 256 : i32
    %add3A_21 = arith.addi %mul3A_2, %add3A_20 : i32
    "tpu.region"() ({
      %run_scoped3A = tpu.sem_alloc : memref<!tpu.dma_semaphore, #tpu.memory_space<semaphore_mem>>
      %dma_start3A = arith.constant 0 : i32
      %dma_start3A_38 = tpu.memref_slice %arg9[%add3A_21, %dma_start3A] : memref<10240x16xf32, #tpu.memory_space<vmem_shared>> -> memref<128x16xf32, #tpu.memory_space<vmem_shared>>
      %dma_start3A_39 = arith.constant 0 : i32
      %dma_start3A_40 = tpu.memref_slice %arg9[%add3A_21, %dma_start3A_39] : memref<10240x16xf32, #tpu.memory_space<vmem_shared>> -> memref<128x16xf32, #tpu.memory_space<vmem_shared>>
      tpu.enqueue_dma source(%arg16 : memref<128x16xf32, #tpu.memory_space<vmem>>) target(%dma_start3A_40 : memref<128x16xf32, #tpu.memory_space<vmem_shared>>) target_semaphore(%run_scoped3A : memref<!tpu.dma_semaphore, #tpu.memory_space<semaphore_mem>>)
      %dma_wait3A = arith.constant 0 : i32
      %dma_wait3A_41 = tpu.memref_slice %arg9[%add3A_21, %dma_wait3A] : memref<10240x16xf32, #tpu.memory_space<vmem_shared>> -> memref<128x16xf32, #tpu.memory_space<vmem_shared>>
      %dma_wait3A_42 = arith.constant 0 : i32
      %dma_wait3A_43 = tpu.memref_slice %arg9[%add3A_21, %dma_wait3A_42] : memref<10240x16xf32, #tpu.memory_space<vmem_shared>> -> memref<128x16xf32, #tpu.memory_space<vmem_shared>>
      tpu.wait_dma2 semaphore(%run_scoped3A : memref<!tpu.dma_semaphore, #tpu.memory_space<semaphore_mem>>) src(%arg16 : memref<128x16xf32, #tpu.memory_space<vmem>>) dst(%dma_wait3A_43 : memref<128x16xf32, #tpu.memory_space<vmem_shared>>)
      tpu.yield
    }) : () -> ()
    %add3A_22 = arith.constant 384 : i32
    %add3A_23 = arith.addi %mul3A_2, %add3A_22 : i32
    "tpu.region"() ({
      %run_scoped3A = tpu.sem_alloc : memref<!tpu.dma_semaphore, #tpu.memory_space<semaphore_mem>>
      %dma_start3A = arith.constant 0 : i32
      %dma_start3A_38 = tpu.memref_slice %arg8[%add3A_23, %dma_start3A] : memref<10240x128xf32, #tpu.memory_space<vmem_shared>> -> memref<128x128xf32, #tpu.memory_space<vmem_shared>>
      %dma_start3A_39 = arith.constant 0 : i32
      %dma_start3A_40 = tpu.memref_slice %arg8[%add3A_23, %dma_start3A_39] : memref<10240x128xf32, #tpu.memory_space<vmem_shared>> -> memref<128x128xf32, #tpu.memory_space<vmem_shared>>
      tpu.enqueue_dma source(%arg15 : memref<128x128xf32, #tpu.memory_space<vmem>>) target(%dma_start3A_40 : memref<128x128xf32, #tpu.memory_space<vmem_shared>>) target_semaphore(%run_scoped3A : memref<!tpu.dma_semaphore, #tpu.memory_space<semaphore_mem>>)
      %dma_wait3A = arith.constant 0 : i32
      %dma_wait3A_41 = tpu.memref_slice %arg8[%add3A_23, %dma_wait3A] : memref<10240x128xf32, #tpu.memory_space<vmem_shared>> -> memref<128x128xf32, #tpu.memory_space<vmem_shared>>
      %dma_wait3A_42 = arith.constant 0 : i32
      %dma_wait3A_43 = tpu.memref_slice %arg8[%add3A_23, %dma_wait3A_42] : memref<10240x128xf32, #tpu.memory_space<vmem_shared>> -> memref<128x128xf32, #tpu.memory_space<vmem_shared>>
      tpu.wait_dma2 semaphore(%run_scoped3A : memref<!tpu.dma_semaphore, #tpu.memory_space<semaphore_mem>>) src(%arg15 : memref<128x128xf32, #tpu.memory_space<vmem>>) dst(%dma_wait3A_43 : memref<128x128xf32, #tpu.memory_space<vmem_shared>>)
      tpu.yield
    }) : () -> ()
    %add3A_24 = arith.constant 384 : i32
    %add3A_25 = arith.addi %mul3A_2, %add3A_24 : i32
    "tpu.region"() ({
      %run_scoped3A = tpu.sem_alloc : memref<!tpu.dma_semaphore, #tpu.memory_space<semaphore_mem>>
      %dma_start3A = arith.constant 0 : i32
      %dma_start3A_38 = tpu.memref_slice %arg9[%add3A_25, %dma_start3A] : memref<10240x16xf32, #tpu.memory_space<vmem_shared>> -> memref<128x16xf32, #tpu.memory_space<vmem_shared>>
      %dma_start3A_39 = arith.constant 0 : i32
      %dma_start3A_40 = tpu.memref_slice %arg9[%add3A_25, %dma_start3A_39] : memref<10240x16xf32, #tpu.memory_space<vmem_shared>> -> memref<128x16xf32, #tpu.memory_space<vmem_shared>>
      tpu.enqueue_dma source(%arg16 : memref<128x16xf32, #tpu.memory_space<vmem>>) target(%dma_start3A_40 : memref<128x16xf32, #tpu.memory_space<vmem_shared>>) target_semaphore(%run_scoped3A : memref<!tpu.dma_semaphore, #tpu.memory_space<semaphore_mem>>)
      %dma_wait3A = arith.constant 0 : i32
      %dma_wait3A_41 = tpu.memref_slice %arg9[%add3A_25, %dma_wait3A] : memref<10240x16xf32, #tpu.memory_space<vmem_shared>> -> memref<128x16xf32, #tpu.memory_space<vmem_shared>>
      %dma_wait3A_42 = arith.constant 0 : i32
      %dma_wait3A_43 = tpu.memref_slice %arg9[%add3A_25, %dma_wait3A_42] : memref<10240x16xf32, #tpu.memory_space<vmem_shared>> -> memref<128x16xf32, #tpu.memory_space<vmem_shared>>
      tpu.wait_dma2 semaphore(%run_scoped3A : memref<!tpu.dma_semaphore, #tpu.memory_space<semaphore_mem>>) src(%arg16 : memref<128x16xf32, #tpu.memory_space<vmem>>) dst(%dma_wait3A_43 : memref<128x16xf32, #tpu.memory_space<vmem_shared>>)
      tpu.yield
    }) : () -> ()
    %add3A_26 = arith.constant 512 : i32
    %add3A_27 = arith.addi %mul3A_2, %add3A_26 : i32
    "tpu.region"() ({
      %run_scoped3A = tpu.sem_alloc : memref<!tpu.dma_semaphore, #tpu.memory_space<semaphore_mem>>
      %dma_start3A = arith.constant 0 : i32
      %dma_start3A_38 = tpu.memref_slice %arg8[%add3A_27, %dma_start3A] : memref<10240x128xf32, #tpu.memory_space<vmem_shared>> -> memref<128x128xf32, #tpu.memory_space<vmem_shared>>
      %dma_start3A_39 = arith.constant 0 : i32
      %dma_start3A_40 = tpu.memref_slice %arg8[%add3A_27, %dma_start3A_39] : memref<10240x128xf32, #tpu.memory_space<vmem_shared>> -> memref<128x128xf32, #tpu.memory_space<vmem_shared>>
      tpu.enqueue_dma source(%arg15 : memref<128x128xf32, #tpu.memory_space<vmem>>) target(%dma_start3A_40 : memref<128x128xf32, #tpu.memory_space<vmem_shared>>) target_semaphore(%run_scoped3A : memref<!tpu.dma_semaphore, #tpu.memory_space<semaphore_mem>>)
      %dma_wait3A = arith.constant 0 : i32
      %dma_wait3A_41 = tpu.memref_slice %arg8[%add3A_27, %dma_wait3A] : memref<10240x128xf32, #tpu.memory_space<vmem_shared>> -> memref<128x128xf32, #tpu.memory_space<vmem_shared>>
      %dma_wait3A_42 = arith.constant 0 : i32
      %dma_wait3A_43 = tpu.memref_slice %arg8[%add3A_27, %dma_wait3A_42] : memref<10240x128xf32, #tpu.memory_space<vmem_shared>> -> memref<128x128xf32, #tpu.memory_space<vmem_shared>>
      tpu.wait_dma2 semaphore(%run_scoped3A : memref<!tpu.dma_semaphore, #tpu.memory_space<semaphore_mem>>) src(%arg15 : memref<128x128xf32, #tpu.memory_space<vmem>>) dst(%dma_wait3A_43 : memref<128x128xf32, #tpu.memory_space<vmem_shared>>)
      tpu.yield
    }) : () -> ()
    %add3A_28 = arith.constant 512 : i32
    %add3A_29 = arith.addi %mul3A_2, %add3A_28 : i32
    "tpu.region"() ({
      %run_scoped3A = tpu.sem_alloc : memref<!tpu.dma_semaphore, #tpu.memory_space<semaphore_mem>>
      %dma_start3A = arith.constant 0 : i32
      %dma_start3A_38 = tpu.memref_slice %arg9[%add3A_29, %dma_start3A] : memref<10240x16xf32, #tpu.memory_space<vmem_shared>> -> memref<128x16xf32, #tpu.memory_space<vmem_shared>>
      %dma_start3A_39 = arith.constant 0 : i32
      %dma_start3A_40 = tpu.memref_slice %arg9[%add3A_29, %dma_start3A_39] : memref<10240x16xf32, #tpu.memory_space<vmem_shared>> -> memref<128x16xf32, #tpu.memory_space<vmem_shared>>
      tpu.enqueue_dma source(%arg16 : memref<128x16xf32, #tpu.memory_space<vmem>>) target(%dma_start3A_40 : memref<128x16xf32, #tpu.memory_space<vmem_shared>>) target_semaphore(%run_scoped3A : memref<!tpu.dma_semaphore, #tpu.memory_space<semaphore_mem>>)
      %dma_wait3A = arith.constant 0 : i32
      %dma_wait3A_41 = tpu.memref_slice %arg9[%add3A_29, %dma_wait3A] : memref<10240x16xf32, #tpu.memory_space<vmem_shared>> -> memref<128x16xf32, #tpu.memory_space<vmem_shared>>
      %dma_wait3A_42 = arith.constant 0 : i32
      %dma_wait3A_43 = tpu.memref_slice %arg9[%add3A_29, %dma_wait3A_42] : memref<10240x16xf32, #tpu.memory_space<vmem_shared>> -> memref<128x16xf32, #tpu.memory_space<vmem_shared>>
      tpu.wait_dma2 semaphore(%run_scoped3A : memref<!tpu.dma_semaphore, #tpu.memory_space<semaphore_mem>>) src(%arg16 : memref<128x16xf32, #tpu.memory_space<vmem>>) dst(%dma_wait3A_43 : memref<128x16xf32, #tpu.memory_space<vmem_shared>>)
      tpu.yield
    }) : () -> ()
    %barrier3A = arith.constant 0 : index
    tpu.barrier barrier_id(%barrier3A)
    %scan3A_30 = arith.constant 0 : i32
    %scan3A_31 = arith.constant 0 : i32
    %scan3A_32 = arith.constant 40 : i32
    %scan3A_33 = arith.addi %scan3A_31, %scan3A_32 : i32
    %scan3A_34 = arith.constant 1 : i32
    %scan3A_35 = scf.for %scan3A_38 = %scan3A_31 to %scan3A_33 step %scan3A_34 iter_args(%scan3A_39 = %scan3A_30) -> (i32)  : i32 {
      %mul3A_40 = arith.constant 5120 : i32
      %mul3A_41 = arith.muli %add3A, %mul3A_40 : i32
      %mul3A_42 = arith.constant 128 : i32
      %mul3A_43 = arith.muli %scan3A_38, %mul3A_42 : i32
      %add3A_44 = arith.addi %mul3A_41, %mul3A_43 : i32
      "tpu.region"() ({
        %run_scoped3A = tpu.sem_alloc : memref<!tpu.dma_semaphore, #tpu.memory_space<semaphore_mem>>
        %dma_start3A_76 = tpu.memref_slice %arg4[%add3A_44] : memref<163840xi32, #tpu.memory_space<hbm>> -> memref<128xi32, #tpu.memory_space<hbm>>
        %dma_start3A_77 = tpu.memref_slice %arg4[%add3A_44] : memref<163840xi32, #tpu.memory_space<hbm>> -> memref<128xi32, #tpu.memory_space<hbm>>
        tpu.enqueue_dma source(%dma_start3A_77 : memref<128xi32, #tpu.memory_space<hbm>>) target(%arg10 : memref<128xi32, #tpu.memory_space<vmem>>) target_semaphore(%run_scoped3A : memref<!tpu.dma_semaphore, #tpu.memory_space<semaphore_mem>>)
        %dma_wait3A_78 = tpu.memref_slice %arg4[%add3A_44] : memref<163840xi32, #tpu.memory_space<hbm>> -> memref<128xi32, #tpu.memory_space<hbm>>
        %dma_wait3A_79 = tpu.memref_slice %arg4[%add3A_44] : memref<163840xi32, #tpu.memory_space<hbm>> -> memref<128xi32, #tpu.memory_space<hbm>>
        tpu.wait_dma2 semaphore(%run_scoped3A : memref<!tpu.dma_semaphore, #tpu.memory_space<semaphore_mem>>) src(%dma_wait3A_79 : memref<128xi32, #tpu.memory_space<hbm>>) dst(%arg10 : memref<128xi32, #tpu.memory_space<vmem>>)
        tpu.yield
      }) : () -> ()
      "tpu.region"() ({
        %run_scoped3A = tpu.sem_alloc : memref<!tpu.dma_semaphore, #tpu.memory_space<semaphore_mem>>
        %dma_start3A_76 = tpu.memref_slice %arg5[%add3A_44] : memref<163840xi32, #tpu.memory_space<hbm>> -> memref<128xi32, #tpu.memory_space<hbm>>
        %dma_start3A_77 = tpu.memref_slice %arg5[%add3A_44] : memref<163840xi32, #tpu.memory_space<hbm>> -> memref<128xi32, #tpu.memory_space<hbm>>
        tpu.enqueue_dma source(%dma_start3A_77 : memref<128xi32, #tpu.memory_space<hbm>>) target(%arg11 : memref<128xi32, #tpu.memory_space<vmem>>) target_semaphore(%run_scoped3A : memref<!tpu.dma_semaphore, #tpu.memory_space<semaphore_mem>>)
        %dma_wait3A_78 = tpu.memref_slice %arg5[%add3A_44] : memref<163840xi32, #tpu.memory_space<hbm>> -> memref<128xi32, #tpu.memory_space<hbm>>
        %dma_wait3A_79 = tpu.memref_slice %arg5[%add3A_44] : memref<163840xi32, #tpu.memory_space<hbm>> -> memref<128xi32, #tpu.memory_space<hbm>>
        tpu.wait_dma2 semaphore(%run_scoped3A : memref<!tpu.dma_semaphore, #tpu.memory_space<semaphore_mem>>) src(%dma_wait3A_79 : memref<128xi32, #tpu.memory_space<hbm>>) dst(%arg11 : memref<128xi32, #tpu.memory_space<vmem>>)
        tpu.yield
      }) : () -> ()
      %dma_start3A = arith.constant 0 : i32
      %dma_start3A_45 = arith.constant 0 : i32
      %dma_start3A_46 = tpu.memref_slice %arg3[%dma_start3A, %dma_start3A_45] : memref<10240x128xf32, #tpu.memory_space<hbm>> -> memref<10240x128xf32, #tpu.memory_space<hbm>>
      tpu.enqueue_indirect_dma source(%dma_start3A_46 : memref<10240x128xf32, #tpu.memory_space<hbm>>) target(%arg15 : memref<128x128xf32, #tpu.memory_space<vmem>>) offsets(%arg10 : memref<128xi32, #tpu.memory_space<vmem>>) semaphore(%arg19 : memref<!tpu.dma_semaphore, #tpu.memory_space<semaphore_mem>>)
      %dma_start3A_47 = arith.constant 0 : i32
      %dma_start3A_48 = arith.constant 0 : i32
      %dma_start3A_49 = tpu.memref_slice %arg2[%dma_start3A_47, %dma_start3A_48] : memref<10240x32xf32, #tpu.memory_space<hbm>> -> memref<10240x32xf32, #tpu.memory_space<hbm>>
      tpu.enqueue_indirect_dma source(%dma_start3A_49 : memref<10240x32xf32, #tpu.memory_space<hbm>>) target(%arg12 : memref<128x32xf32, #tpu.memory_space<vmem>>) offsets(%arg10 : memref<128xi32, #tpu.memory_space<vmem>>) semaphore(%arg17 : memref<!tpu.dma_semaphore, #tpu.memory_space<semaphore_mem>>)
      %dma_start3A_50 = arith.constant 0 : i32
      %dma_start3A_51 = arith.constant 0 : i32
      %dma_start3A_52 = tpu.memref_slice %arg2[%dma_start3A_50, %dma_start3A_51] : memref<10240x32xf32, #tpu.memory_space<hbm>> -> memref<10240x32xf32, #tpu.memory_space<hbm>>
      tpu.enqueue_indirect_dma source(%dma_start3A_52 : memref<10240x32xf32, #tpu.memory_space<hbm>>) target(%arg13 : memref<128x32xf32, #tpu.memory_space<vmem>>) offsets(%arg11 : memref<128xi32, #tpu.memory_space<vmem>>) semaphore(%arg18 : memref<!tpu.dma_semaphore, #tpu.memory_space<semaphore_mem>>)
      %dma_wait3A = arith.constant 0 : i32
      %dma_wait3A_53 = arith.constant 0 : i32
      %dma_wait3A_54 = tpu.memref_slice %arg2[%dma_wait3A, %dma_wait3A_53] : memref<10240x32xf32, #tpu.memory_space<hbm>> -> memref<10240x32xf32, #tpu.memory_space<hbm>>
      tpu.wait_indirect_dma semaphore(%arg17 : memref<!tpu.dma_semaphore, #tpu.memory_space<semaphore_mem>>) src(%dma_wait3A_54 : memref<10240x32xf32, #tpu.memory_space<hbm>>) dst(%arg12 : memref<128x32xf32, #tpu.memory_space<vmem>>)
      %dma_wait3A_55 = arith.constant 0 : i32
      %dma_wait3A_56 = arith.constant 0 : i32
      %dma_wait3A_57 = tpu.memref_slice %arg2[%dma_wait3A_55, %dma_wait3A_56] : memref<10240x32xf32, #tpu.memory_space<hbm>> -> memref<10240x32xf32, #tpu.memory_space<hbm>>
      tpu.wait_indirect_dma semaphore(%arg18 : memref<!tpu.dma_semaphore, #tpu.memory_space<semaphore_mem>>) src(%dma_wait3A_57 : memref<10240x32xf32, #tpu.memory_space<hbm>>) dst(%arg13 : memref<128x32xf32, #tpu.memory_space<vmem>>)
      %scan3A_58 = arith.constant 0 : i32
      %scan3A_59 = arith.constant 0 : i32
      %scan3A_60 = arith.constant 128 : i32
      %scan3A_61 = arith.addi %scan3A_59, %scan3A_60 : i32
      %scan3A_62 = arith.constant 1 : i32
      %scan3A_63 = scf.for %scan3A_76 = %scan3A_59 to %scan3A_61 step %scan3A_62 iter_args(%scan3A_77 = %scan3A_58) -> (i32)  : i32 {
        %get3A = arith.index_cast %scan3A_76 : i32 to index
        %get3A_78 = arith.constant 0 : index
        %get3A_79 = tpu.vector_load %arg12[%get3A, %get3A_78] {strides = array<i32>} : memref<128x32xf32, #tpu.memory_space<vmem>>, vector<1x16xf32>,
        %get3A_80 = vector.shape_cast %get3A_79 : vector<1x16xf32> to vector<16xf32>
        %get3A_81 = arith.index_cast %scan3A_76 : i32 to index
        %get3A_82 = arith.constant 16 : index
        %get3A_83 = tpu.vector_load %arg13[%get3A_81, %get3A_82] {strides = array<i32>} : memref<128x32xf32, #tpu.memory_space<vmem>>, vector<1x16xf32>,
        %get3A_84 = vector.shape_cast %get3A_83 : vector<1x16xf32> to vector<16xf32>
        %add3A_85 = arith.addf %get3A_80, %get3A_84 : vector<16xf32>
        %gt3A = arith.constant 0.000000e+00 : f32
        %gt3A_86 = vector.broadcast %gt3A : f32 to vector<16xf32>
        %gt3A_87 = arith.cmpf ogt, %add3A_85, %gt3A_86 : vector<16xf32>
        %mul3A_88 = arith.constant 0.00999999977 : f32
        %mul3A_89 = vector.broadcast %mul3A_88 : f32 to vector<16xf32>
        %mul3A_90 = arith.mulf %mul3A_89, %add3A_85 : vector<16xf32>
        %select_n3A = arith.select %gt3A_87, %add3A_85, %mul3A_90 : vector<16xi1>, vector<16xf32>
        %exp3A = math.exp %select_n3A : vector<16xf32>
        %swap3A = arith.index_cast %scan3A_76 : i32 to index
        %swap3A_91 = arith.constant 0 : index
        %swap3A_92 = tpu.vector_load %arg14[%swap3A, %swap3A_91] {strides = array<i32>} : memref<128x16xf32, #tpu.memory_space<vmem>>, vector<1x16xf32>,
        %swap3A_93 = vector.shape_cast %swap3A_92 : vector<1x16xf32> to vector<16xf32>
        %swap3A_94 = vector.shape_cast %exp3A : vector<16xf32> to vector<1x16xf32>
        tpu.vector_store %arg14[%swap3A, %swap3A_91], %swap3A_94 {strides = array<i32>} : memref<128x16xf32, #tpu.memory_space<vmem>>, vector<1x16xf32>,
        %scan3A_95 = arith.constant 0 : i32
        scf.yield %scan3A_95 : i32
      }
      %scan3A_64 = arith.constant 128 : i32
      "tpu.region"() ({
        %run_scoped3A = tpu.sem_alloc : memref<!tpu.dma_semaphore, #tpu.memory_space<semaphore_mem>>
        %dma_start3A_76 = arith.constant 0 : i32
        %dma_start3A_77 = arith.constant 0 : i32
        %dma_start3A_78 = tpu.memref_slice %arg9[%dma_start3A_76, %dma_start3A_77] : memref<10240x16xf32, #tpu.memory_space<vmem_shared>> -> memref<10240x16xf32, #tpu.memory_space<vmem_shared>>
        tpu.enqueue_indirect_dma source(%arg14 : memref<128x16xf32, #tpu.memory_space<vmem>>) target(%dma_start3A_78 : memref<10240x16xf32, #tpu.memory_space<vmem_shared>>) offsets(%arg11 : memref<128xi32, #tpu.memory_space<vmem>>) semaphore(%run_scoped3A : memref<!tpu.dma_semaphore, #tpu.memory_space<semaphore_mem>>) {add = true}
        %dma_wait3A_79 = arith.constant 0 : i32
        %dma_wait3A_80 = arith.constant 0 : i32
        %dma_wait3A_81 = tpu.memref_slice %arg9[%dma_wait3A_79, %dma_wait3A_80] : memref<10240x16xf32, #tpu.memory_space<vmem_shared>> -> memref<10240x16xf32, #tpu.memory_space<vmem_shared>>
        tpu.wait_indirect_dma semaphore(%run_scoped3A : memref<!tpu.dma_semaphore, #tpu.memory_space<semaphore_mem>>) src(%arg14 : memref<128x16xf32, #tpu.memory_space<vmem>>) dst(%dma_wait3A_81 : memref<10240x16xf32, #tpu.memory_space<vmem_shared>>)
        tpu.yield
      }) : () -> ()
      %dma_wait3A_65 = arith.constant 0 : i32
      %dma_wait3A_66 = arith.constant 0 : i32
      %dma_wait3A_67 = tpu.memref_slice %arg3[%dma_wait3A_65, %dma_wait3A_66] : memref<10240x128xf32, #tpu.memory_space<hbm>> -> memref<10240x128xf32, #tpu.memory_space<hbm>>
      tpu.wait_indirect_dma semaphore(%arg19 : memref<!tpu.dma_semaphore, #tpu.memory_space<semaphore_mem>>) src(%dma_wait3A_67 : memref<10240x128xf32, #tpu.memory_space<hbm>>) dst(%arg15 : memref<128x128xf32, #tpu.memory_space<vmem>>)
      %scan3A_68 = arith.constant 0 : i32
      %scan3A_69 = arith.constant 0 : i32
      %scan3A_70 = arith.constant 128 : i32
      %scan3A_71 = arith.addi %scan3A_69, %scan3A_70 : i32
      %scan3A_72 = arith.constant 1 : i32
      %scan3A_73 = scf.for %scan3A_76 = %scan3A_69 to %scan3A_71 step %scan3A_72 iter_args(%scan3A_77 = %scan3A_68) -> (i32)  : i32 {
        %get3A = arith.index_cast %scan3A_76 : i32 to index
        %get3A_78 = arith.constant 0 : index
        %get3A_79 = tpu.vector_load %arg14[%get3A, %get3A_78] {strides = array<i32>} : memref<128x16xf32, #tpu.memory_space<vmem>>, vector<1x16xf32>,
        %get3A_80 = vector.shape_cast %get3A_79 : vector<1x16xf32> to vector<16xf32>
        %slice3A = vector.extract_strided_slice %get3A_80 {offsets = [0], sizes = [1], strides = [1]} : vector<16xf32> to vector<1xf32>
        %squeeze3A = vector.extract %slice3A[0] : f32 from vector<1xf32>
        %broadcast_in_dim3A_81 = vector.broadcast %squeeze3A : f32 to vector<16xf32>
        %get3A_82 = arith.index_cast %scan3A_76 : i32 to index
        %get3A_83 = arith.constant 0 : index
        %get3A_84 = tpu.vector_load %arg15[%get3A_82, %get3A_83] {strides = array<i32>} : memref<128x128xf32, #tpu.memory_space<vmem>>, vector<1x16xf32>,
        %get3A_85 = vector.shape_cast %get3A_84 : vector<1x16xf32> to vector<16xf32>
        %mul3A_86 = arith.mulf %get3A_85, %broadcast_in_dim3A_81 : vector<16xf32>
        %swap3A = arith.index_cast %scan3A_76 : i32 to index
        %swap3A_87 = arith.constant 0 : index
        %swap3A_88 = tpu.vector_load %arg15[%swap3A, %swap3A_87] {strides = array<i32>} : memref<128x128xf32, #tpu.memory_space<vmem>>, vector<1x16xf32>,
        %swap3A_89 = vector.shape_cast %swap3A_88 : vector<1x16xf32> to vector<16xf32>
        %swap3A_90 = vector.shape_cast %mul3A_86 : vector<16xf32> to vector<1x16xf32>
        tpu.vector_store %arg15[%swap3A, %swap3A_87], %swap3A_90 {strides = array<i32>} : memref<128x128xf32, #tpu.memory_space<vmem>>, vector<1x16xf32>,
        %slice3A_91 = vector.extract_strided_slice %get3A_80 {offsets = [1], sizes = [1], strides = [1]} : vector<16xf32> to vector<1xf32>
        %squeeze3A_92 = vector.extract %slice3A_91[0] : f32 from vector<1xf32>
        %broadcast_in_dim3A_93 = vector.broadcast %squeeze3A_92 : f32 to vector<16xf32>
        %get3A_94 = arith.index_cast %scan3A_76 : i32 to index
        %get3A_95 = arith.constant 16 : index
        %get3A_96 = tpu.vector_load %arg15[%get3A_94, %get3A_95] {strides = array<i32>} : memref<128x128xf32, #tpu.memory_space<vmem>>, vector<1x16xf32>,
        %get3A_97 = vector.shape_cast %get3A_96 : vector<1x16xf32> to vector<16xf32>
        %mul3A_98 = arith.mulf %get3A_97, %broadcast_in_dim3A_93 : vector<16xf32>
        %swap3A_99 = arith.index_cast %scan3A_76 : i32 to index
        %swap3A_100 = arith.constant 16 : index
        %swap3A_101 = tpu.vector_load %arg15[%swap3A_99, %swap3A_100] {strides = array<i32>} : memref<128x128xf32, #tpu.memory_space<vmem>>, vector<1x16xf32>,
        %swap3A_102 = vector.shape_cast %swap3A_101 : vector<1x16xf32> to vector<16xf32>
        %swap3A_103 = vector.shape_cast %mul3A_98 : vector<16xf32> to vector<1x16xf32>
        tpu.vector_store %arg15[%swap3A_99, %swap3A_100], %swap3A_103 {strides = array<i32>} : memref<128x128xf32, #tpu.memory_space<vmem>>, vector<1x16xf32>,
        %slice3A_104 = vector.extract_strided_slice %get3A_80 {offsets = [2], sizes = [1], strides = [1]} : vector<16xf32> to vector<1xf32>
        %squeeze3A_105 = vector.extract %slice3A_104[0] : f32 from vector<1xf32>
        %broadcast_in_dim3A_106 = vector.broadcast %squeeze3A_105 : f32 to vector<16xf32>
        %get3A_107 = arith.index_cast %scan3A_76 : i32 to index
        %get3A_108 = arith.constant 32 : index
        %get3A_109 = tpu.vector_load %arg15[%get3A_107, %get3A_108] {strides = array<i32>} : memref<128x128xf32, #tpu.memory_space<vmem>>, vector<1x16xf32>,
        %get3A_110 = vector.shape_cast %get3A_109 : vector<1x16xf32> to vector<16xf32>
        %mul3A_111 = arith.mulf %get3A_110, %broadcast_in_dim3A_106 : vector<16xf32>
        %swap3A_112 = arith.index_cast %scan3A_76 : i32 to index
        %swap3A_113 = arith.constant 32 : index
        %swap3A_114 = tpu.vector_load %arg15[%swap3A_112, %swap3A_113] {strides = array<i32>} : memref<128x128xf32, #tpu.memory_space<vmem>>, vector<1x16xf32>,
        %swap3A_115 = vector.shape_cast %swap3A_114 : vector<1x16xf32> to vector<16xf32>
        %swap3A_116 = vector.shape_cast %mul3A_111 : vector<16xf32> to vector<1x16xf32>
        tpu.vector_store %arg15[%swap3A_112, %swap3A_113], %swap3A_116 {strides = array<i32>} : memref<128x128xf32, #tpu.memory_space<vmem>>, vector<1x16xf32>,
        %slice3A_117 = vector.extract_strided_slice %get3A_80 {offsets = [3], sizes = [1], strides = [1]} : vector<16xf32> to vector<1xf32>
        %squeeze3A_118 = vector.extract %slice3A_117[0] : f32 from vector<1xf32>
        %broadcast_in_dim3A_119 = vector.broadcast %squeeze3A_118 : f32 to vector<16xf32>
        %get3A_120 = arith.index_cast %scan3A_76 : i32 to index
        %get3A_121 = arith.constant 48 : index
        %get3A_122 = tpu.vector_load %arg15[%get3A_120, %get3A_121] {strides = array<i32>} : memref<128x128xf32, #tpu.memory_space<vmem>>, vector<1x16xf32>,
        %get3A_123 = vector.shape_cast %get3A_122 : vector<1x16xf32> to vector<16xf32>
        %mul3A_124 = arith.mulf %get3A_123, %broadcast_in_dim3A_119 : vector<16xf32>
        %swap3A_125 = arith.index_cast %scan3A_76 : i32 to index
        %swap3A_126 = arith.constant 48 : index
        %swap3A_127 = tpu.vector_load %arg15[%swap3A_125, %swap3A_126] {strides = array<i32>} : memref<128x128xf32, #tpu.memory_space<vmem>>, vector<1x16xf32>,
        %swap3A_128 = vector.shape_cast %swap3A_127 : vector<1x16xf32> to vector<16xf32>
        %swap3A_129 = vector.shape_cast %mul3A_124 : vector<16xf32> to vector<1x16xf32>
        tpu.vector_store %arg15[%swap3A_125, %swap3A_126], %swap3A_129 {strides = array<i32>} : memref<128x128xf32, #tpu.memory_space<vmem>>, vector<1x16xf32>,
        %slice3A_130 = vector.extract_strided_slice %get3A_80 {offsets = [4], sizes = [1], strides = [1]} : vector<16xf32> to vector<1xf32>
        %squeeze3A_131 = vector.extract %slice3A_130[0] : f32 from vector<1xf32>
        %broadcast_in_dim3A_132 = vector.broadcast %squeeze3A_131 : f32 to vector<16xf32>
        %get3A_133 = arith.index_cast %scan3A_76 : i32 to index
        %get3A_134 = arith.constant 64 : index
        %get3A_135 = tpu.vector_load %arg15[%get3A_133, %get3A_134] {strides = array<i32>} : memref<128x128xf32, #tpu.memory_space<vmem>>, vector<1x16xf32>,
        %get3A_136 = vector.shape_cast %get3A_135 : vector<1x16xf32> to vector<16xf32>
        %mul3A_137 = arith.mulf %get3A_136, %broadcast_in_dim3A_132 : vector<16xf32>
        %swap3A_138 = arith.index_cast %scan3A_76 : i32 to index
        %swap3A_139 = arith.constant 64 : index
        %swap3A_140 = tpu.vector_load %arg15[%swap3A_138, %swap3A_139] {strides = array<i32>} : memref<128x128xf32, #tpu.memory_space<vmem>>, vector<1x16xf32>,
        %swap3A_141 = vector.shape_cast %swap3A_140 : vector<1x16xf32> to vector<16xf32>
        %swap3A_142 = vector.shape_cast %mul3A_137 : vector<16xf32> to vector<1x16xf32>
        tpu.vector_store %arg15[%swap3A_138, %swap3A_139], %swap3A_142 {strides = array<i32>} : memref<128x128xf32, #tpu.memory_space<vmem>>, vector<1x16xf32>,
        %slice3A_143 = vector.extract_strided_slice %get3A_80 {offsets = [5], sizes = [1], strides = [1]} : vector<16xf32> to vector<1xf32>
        %squeeze3A_144 = vector.extract %slice3A_143[0] : f32 from vector<1xf32>
        %broadcast_in_dim3A_145 = vector.broadcast %squeeze3A_144 : f32 to vector<16xf32>
        %get3A_146 = arith.index_cast %scan3A_76 : i32 to index
        %get3A_147 = arith.constant 80 : index
        %get3A_148 = tpu.vector_load %arg15[%get3A_146, %get3A_147] {strides = array<i32>} : memref<128x128xf32, #tpu.memory_space<vmem>>, vector<1x16xf32>,
        %get3A_149 = vector.shape_cast %get3A_148 : vector<1x16xf32> to vector<16xf32>
        %mul3A_150 = arith.mulf %get3A_149, %broadcast_in_dim3A_145 : vector<16xf32>
        %swap3A_151 = arith.index_cast %scan3A_76 : i32 to index
        %swap3A_152 = arith.constant 80 : index
        %swap3A_153 = tpu.vector_load %arg15[%swap3A_151, %swap3A_152] {strides = array<i32>} : memref<128x128xf32, #tpu.memory_space<vmem>>, vector<1x16xf32>,
        %swap3A_154 = vector.shape_cast %swap3A_153 : vector<1x16xf32> to vector<16xf32>
        %swap3A_155 = vector.shape_cast %mul3A_150 : vector<16xf32> to vector<1x16xf32>
        tpu.vector_store %arg15[%swap3A_151, %swap3A_152], %swap3A_155 {strides = array<i32>} : memref<128x128xf32, #tpu.memory_space<vmem>>, vector<1x16xf32>,
        %slice3A_156 = vector.extract_strided_slice %get3A_80 {offsets = [6], sizes = [1], strides = [1]} : vector<16xf32> to vector<1xf32>
        %squeeze3A_157 = vector.extract %slice3A_156[0] : f32 from vector<1xf32>
        %broadcast_in_dim3A_158 = vector.broadcast %squeeze3A_157 : f32 to vector<16xf32>
        %get3A_159 = arith.index_cast %scan3A_76 : i32 to index
        %get3A_160 = arith.constant 96 : index
        %get3A_161 = tpu.vector_load %arg15[%get3A_159, %get3A_160] {strides = array<i32>} : memref<128x128xf32, #tpu.memory_space<vmem>>, vector<1x16xf32>,
        %get3A_162 = vector.shape_cast %get3A_161 : vector<1x16xf32> to vector<16xf32>
        %mul3A_163 = arith.mulf %get3A_162, %broadcast_in_dim3A_158 : vector<16xf32>
        %swap3A_164 = arith.index_cast %scan3A_76 : i32 to index
        %swap3A_165 = arith.constant 96 : index
        %swap3A_166 = tpu.vector_load %arg15[%swap3A_164, %swap3A_165] {strides = array<i32>} : memref<128x128xf32, #tpu.memory_space<vmem>>, vector<1x16xf32>,
        %swap3A_167 = vector.shape_cast %swap3A_166 : vector<1x16xf32> to vector<16xf32>
        %swap3A_168 = vector.shape_cast %mul3A_163 : vector<16xf32> to vector<1x16xf32>
        tpu.vector_store %arg15[%swap3A_164, %swap3A_165], %swap3A_168 {strides = array<i32>} : memref<128x128xf32, #tpu.memory_space<vmem>>, vector<1x16xf32>,
        %slice3A_169 = vector.extract_strided_slice %get3A_80 {offsets = [7], sizes = [1], strides = [1]} : vector<16xf32> to vector<1xf32>
        %squeeze3A_170 = vector.extract %slice3A_169[0] : f32 from vector<1xf32>
        %broadcast_in_dim3A_171 = vector.broadcast %squeeze3A_170 : f32 to vector<16xf32>
        %get3A_172 = arith.index_cast %scan3A_76 : i32 to index
        %get3A_173 = arith.constant 112 : index
        %get3A_174 = tpu.vector_load %arg15[%get3A_172, %get3A_173] {strides = array<i32>} : memref<128x128xf32, #tpu.memory_space<vmem>>, vector<1x16xf32>,
        %get3A_175 = vector.shape_cast %get3A_174 : vector<1x16xf32> to vector<16xf32>
        %mul3A_176 = arith.mulf %get3A_175, %broadcast_in_dim3A_171 : vector<16xf32>
        %swap3A_177 = arith.index_cast %scan3A_76 : i32 to index
        %swap3A_178 = arith.constant 112 : index
        %swap3A_179 = tpu.vector_load %arg15[%swap3A_177, %swap3A_178] {strides = array<i32>} : memref<128x128xf32, #tpu.memory_space<vmem>>, vector<1x16xf32>,
        %swap3A_180 = vector.shape_cast %swap3A_179 : vector<1x16xf32> to vector<16xf32>
        %swap3A_181 = vector.shape_cast %mul3A_176 : vector<16xf32> to vector<1x16xf32>
        tpu.vector_store %arg15[%swap3A_177, %swap3A_178], %swap3A_181 {strides = array<i32>} : memref<128x128xf32, #tpu.memory_space<vmem>>, vector<1x16xf32>,
        %scan3A_182 = arith.constant 0 : i32
        scf.yield %scan3A_182 : i32
      }
      %scan3A_74 = arith.constant 128 : i32
      "tpu.region"() ({
        %run_scoped3A = tpu.sem_alloc : memref<!tpu.dma_semaphore, #tpu.memory_space<semaphore_mem>>
        %dma_start3A_76 = arith.constant 0 : i32
        %dma_start3A_77 = arith.constant 0 : i32
        %dma_start3A_78 = tpu.memref_slice %arg8[%dma_start3A_76, %dma_start3A_77] : memref<10240x128xf32, #tpu.memory_space<vmem_shared>> -> memref<10240x128xf32, #tpu.memory_space<vmem_shared>>
        tpu.enqueue_indirect_dma source(%arg15 : memref<128x128xf32, #tpu.memory_space<vmem>>) target(%dma_start3A_78 : memref<10240x128xf32, #tpu.memory_space<vmem_shared>>) offsets(%arg11 : memref<128xi32, #tpu.memory_space<vmem>>) semaphore(%run_scoped3A : memref<!tpu.dma_semaphore, #tpu.memory_space<semaphore_mem>>) {add = true}
        %dma_wait3A_79 = arith.constant 0 : i32
        %dma_wait3A_80 = arith.constant 0 : i32
        %dma_wait3A_81 = tpu.memref_slice %arg8[%dma_wait3A_79, %dma_wait3A_80] : memref<10240x128xf32, #tpu.memory_space<vmem_shared>> -> memref<10240x128xf32, #tpu.memory_space<vmem_shared>>
        tpu.wait_indirect_dma semaphore(%run_scoped3A : memref<!tpu.dma_semaphore, #tpu.memory_space<semaphore_mem>>) src(%arg15 : memref<128x128xf32, #tpu.memory_space<vmem>>) dst(%dma_wait3A_81 : memref<10240x128xf32, #tpu.memory_space<vmem_shared>>)
        tpu.yield
      }) : () -> ()
      %scan3A_75 = arith.constant 0 : i32
      scf.yield %scan3A_75 : i32
    }
    %scan3A_36 = arith.constant 40 : i32
    %barrier3A_37 = arith.constant 0 : index
    tpu.barrier barrier_id(%barrier3A_37)
    "tpu.region"() ({
      %run_scoped3A = tpu.sem_alloc : memref<!tpu.dma_semaphore, #tpu.memory_space<semaphore_mem>>
      %dma_start3A = arith.constant 0 : i32
      %dma_start3A_38 = tpu.memref_slice %arg6[%arg0, %mul3A_2, %dma_start3A] : memref<2x10240x128xf32, #tpu.memory_space<hbm>> -> memref<1x640x128xf32, #tpu.memory_space<hbm>>
      %dma_start3A_39 = tpu.memref_squeeze %dma_start3A_38 : memref<1x640x128xf32, #tpu.memory_space<hbm>> -> memref<640x128xf32, #tpu.memory_space<hbm>>
      %dma_start3A_40 = arith.constant 0 : i32
      %dma_start3A_41 = tpu.memref_slice %arg8[%mul3A_2, %dma_start3A_40] : memref<10240x128xf32, #tpu.memory_space<vmem_shared>> -> memref<640x128xf32, #tpu.memory_space<vmem_shared>>
      tpu.enqueue_dma source(%dma_start3A_41 : memref<640x128xf32, #tpu.memory_space<vmem_shared>>) target(%dma_start3A_39 : memref<640x128xf32, #tpu.memory_space<hbm>>) target_semaphore(%run_scoped3A : memref<!tpu.dma_semaphore, #tpu.memory_space<semaphore_mem>>)
      %dma_wait3A = arith.constant 0 : i32
      %dma_wait3A_42 = tpu.memref_slice %arg6[%arg0, %mul3A_2, %dma_wait3A] : memref<2x10240x128xf32, #tpu.memory_space<hbm>> -> memref<1x640x128xf32, #tpu.memory_space<hbm>>
      %dma_wait3A_43 = tpu.memref_squeeze %dma_wait3A_42 : memref<1x640x128xf32, #tpu.memory_space<hbm>> -> memref<640x128xf32, #tpu.memory_space<hbm>>
      %dma_wait3A_44 = arith.constant 0 : i32
      %dma_wait3A_45 = tpu.memref_slice %arg8[%mul3A_2, %dma_wait3A_44] : memref<10240x128xf32, #tpu.memory_space<vmem_shared>> -> memref<640x128xf32, #tpu.memory_space<vmem_shared>>
      tpu.wait_dma2 semaphore(%run_scoped3A : memref<!tpu.dma_semaphore, #tpu.memory_space<semaphore_mem>>) src(%dma_wait3A_45 : memref<640x128xf32, #tpu.memory_space<vmem_shared>>) dst(%dma_wait3A_43 : memref<640x128xf32, #tpu.memory_space<hbm>>)
      tpu.yield
    }) : () -> ()
    "tpu.region"() ({
      %run_scoped3A = tpu.sem_alloc : memref<!tpu.dma_semaphore, #tpu.memory_space<semaphore_mem>>
      %dma_start3A = arith.constant 0 : i32
      %dma_start3A_38 = tpu.memref_slice %arg7[%arg0, %mul3A_2, %dma_start3A] : memref<2x10240x16xf32, #tpu.memory_space<hbm>> -> memref<1x640x16xf32, #tpu.memory_space<hbm>>
      %dma_start3A_39 = tpu.memref_squeeze %dma_start3A_38 : memref<1x640x16xf32, #tpu.memory_space<hbm>> -> memref<640x16xf32, #tpu.memory_space<hbm>>
      %dma_start3A_40 = arith.constant 0 : i32
      %dma_start3A_41 = tpu.memref_slice %arg9[%mul3A_2, %dma_start3A_40] : memref<10240x16xf32, #tpu.memory_space<vmem_shared>> -> memref<640x16xf32, #tpu.memory_space<vmem_shared>>
      tpu.enqueue_dma source(%dma_start3A_41 : memref<640x16xf32, #tpu.memory_space<vmem_shared>>) target(%dma_start3A_39 : memref<640x16xf32, #tpu.memory_space<hbm>>) target_semaphore(%run_scoped3A : memref<!tpu.dma_semaphore, #tpu.memory_space<semaphore_mem>>)
      %dma_wait3A = arith.constant 0 : i32
      %dma_wait3A_42 = tpu.memref_slice %arg7[%arg0, %mul3A_2, %dma_wait3A] : memref<2x10240x16xf32, #tpu.memory_space<hbm>> -> memref<1x640x16xf32, #tpu.memory_space<hbm>>
      %dma_wait3A_43 = tpu.memref_squeeze %dma_wait3A_42 : memref<1x640x16xf32, #tpu.memory_space<hbm>> -> memref<640x16xf32, #tpu.memory_space<hbm>>
      %dma_wait3A_44 = arith.constant 0 : i32
      %dma_wait3A_45 = tpu.memref_slice %arg9[%mul3A_2, %dma_wait3A_44] : memref<10240x16xf32, #tpu.memory_space<vmem_shared>> -> memref<640x16xf32, #tpu.memory_space<vmem_shared>>
      tpu.wait_dma2 semaphore(%run_scoped3A : memref<!tpu.dma_semaphore, #tpu.memory_space<semaphore_mem>>) src(%dma_wait3A_45 : memref<640x16xf32, #tpu.memory_space<vmem_shared>>) dst(%dma_wait3A_43 : memref<640x16xf32, #tpu.memory_space<hbm>>)
      tpu.yield
    }) : () -> ()
    return
  }
}

#map = affine_map<(d0, d1) -> (0, 0)>
#map1 = affine_map<(d0, d1) -> (0)>
#map2 = affine_map<(d0, d1) -> (0, 0, 0)>
module attributes {stable_mosaic.version = 14 : i64} {
  func.func @_sc_body(%arg0: i32, %arg1: i32, %arg2: memref<10240x32xf32, #tpu.memory_space<hbm>>, %arg3: memref<10240x128xf32, #tpu.memory_space<hbm>>, %arg4: memref<163840xi32, #tpu.memory_space<hbm>>, %arg5: memref<163840xi32, #tpu.memory_space<hbm>>, %arg6: memref<163840x16xf32, #tpu.memory_space<hbm>>, %arg7: memref<2x10240x128xf32, #tpu.memory_space<hbm>>, %arg8: memref<2x10240x16xf32, #tpu.memory_space<hbm>>, %arg9: memref<10240x128xf32, #tpu.memory_space<vmem_shared>>, %arg10: memref<10240x16xf32, #tpu.memory_space<vmem_shared>>, %arg11: memref<128xi32, #tpu.memory_space<vmem>>, %arg12: memref<128xi32, #tpu.memory_space<vmem>>, %arg13: memref<128x32xf32, #tpu.memory_space<vmem>>, %arg14: memref<128x32xf32, #tpu.memory_space<vmem>>, %arg15: memref<128x16xf32, #tpu.memory_space<vmem>>, %arg16: memref<128x16xf32, #tpu.memory_space<vmem>>, %arg17: memref<128x128xf32, #tpu.memory_space<vmem>>, %arg18: memref<128x16xf32, #tpu.memory_space<vmem>>, %arg19: memref<!tpu.dma_semaphore, #tpu.memory_space<semaphore_mem>>, %arg20: memref<!tpu.dma_semaphore, #tpu.memory_space<semaphore_mem>>, %arg21: memref<!tpu.dma_semaphore, #tpu.memory_space<semaphore_mem>>) attributes {dimension_semantics = [#tpu.dimension_semantics<core_parallel>, #tpu.dimension_semantics<subcore_parallel>], iteration_bounds = array<i64: 2, 16>, scalar_prefetch = 0 : i64, scratch_operands = 13 : i64, tpu.core_type = #tpu.core_type<sc_vector_subcore>, window_params = [{transform_indices = #map}, {transform_indices = #map}, {transform_indices = #map1}, {transform_indices = #map1}, {transform_indices = #map}, {transform_indices = #map2}, {transform_indices = #map2}]} {
    %mul3A = arith.constant 16 : i32
    %mul3A_0 = arith.muli %arg0, %mul3A : i32
    %add3A = arith.addi %mul3A_0, %arg1 : i32
    %mul3A_1 = arith.constant 640 : i32
    %mul3A_2 = arith.muli %arg1, %mul3A_1 : i32
    %broadcast_in_dim3A = arith.constant 0.000000e+00 : f32
    %broadcast_in_dim3A_3 = vector.broadcast %broadcast_in_dim3A : f32 to vector<16xf32>
    %scan3A = arith.constant 0 : i32
    %scan3A_4 = arith.constant 0 : i32
    %scan3A_5 = arith.constant 128 : i32
    %scan3A_6 = arith.addi %scan3A_4, %scan3A_5 : i32
    %scan3A_7 = arith.constant 1 : i32
    %scan3A_8 = scf.for %scan3A_38 = %scan3A_4 to %scan3A_6 step %scan3A_7 iter_args(%scan3A_39 = %scan3A) -> (i32)  : i32 {
      %swap3A = arith.index_cast %scan3A_38 : i32 to index
      %swap3A_40 = arith.constant 0 : index
      %swap3A_41 = tpu.vector_load %arg17[%swap3A, %swap3A_40] {strides = array<i32>} : memref<128x128xf32, #tpu.memory_space<vmem>>, vector<1x16xf32>,
      %swap3A_42 = vector.shape_cast %swap3A_41 : vector<1x16xf32> to vector<16xf32>
      %swap3A_43 = vector.shape_cast %broadcast_in_dim3A_3 : vector<16xf32> to vector<1x16xf32>
      tpu.vector_store %arg17[%swap3A, %swap3A_40], %swap3A_43 {strides = array<i32>} : memref<128x128xf32, #tpu.memory_space<vmem>>, vector<1x16xf32>,
      %swap3A_44 = arith.index_cast %scan3A_38 : i32 to index
      %swap3A_45 = arith.constant 16 : index
      %swap3A_46 = tpu.vector_load %arg17[%swap3A_44, %swap3A_45] {strides = array<i32>} : memref<128x128xf32, #tpu.memory_space<vmem>>, vector<1x16xf32>,
      %swap3A_47 = vector.shape_cast %swap3A_46 : vector<1x16xf32> to vector<16xf32>
      %swap3A_48 = vector.shape_cast %broadcast_in_dim3A_3 : vector<16xf32> to vector<1x16xf32>
      tpu.vector_store %arg17[%swap3A_44, %swap3A_45], %swap3A_48 {strides = array<i32>} : memref<128x128xf32, #tpu.memory_space<vmem>>, vector<1x16xf32>,
      %swap3A_49 = arith.index_cast %scan3A_38 : i32 to index
      %swap3A_50 = arith.constant 32 : index
      %swap3A_51 = tpu.vector_load %arg17[%swap3A_49, %swap3A_50] {strides = array<i32>} : memref<128x128xf32, #tpu.memory_space<vmem>>, vector<1x16xf32>,
      %swap3A_52 = vector.shape_cast %swap3A_51 : vector<1x16xf32> to vector<16xf32>
      %swap3A_53 = vector.shape_cast %broadcast_in_dim3A_3 : vector<16xf32> to vector<1x16xf32>
      tpu.vector_store %arg17[%swap3A_49, %swap3A_50], %swap3A_53 {strides = array<i32>} : memref<128x128xf32, #tpu.memory_space<vmem>>, vector<1x16xf32>,
      %swap3A_54 = arith.index_cast %scan3A_38 : i32 to index
      %swap3A_55 = arith.constant 48 : index
      %swap3A_56 = tpu.vector_load %arg17[%swap3A_54, %swap3A_55] {strides = array<i32>} : memref<128x128xf32, #tpu.memory_space<vmem>>, vector<1x16xf32>,
      %swap3A_57 = vector.shape_cast %swap3A_56 : vector<1x16xf32> to vector<16xf32>
      %swap3A_58 = vector.shape_cast %broadcast_in_dim3A_3 : vector<16xf32> to vector<1x16xf32>
      tpu.vector_store %arg17[%swap3A_54, %swap3A_55], %swap3A_58 {strides = array<i32>} : memref<128x128xf32, #tpu.memory_space<vmem>>, vector<1x16xf32>,
      %swap3A_59 = arith.index_cast %scan3A_38 : i32 to index
      %swap3A_60 = arith.constant 64 : index
      %swap3A_61 = tpu.vector_load %arg17[%swap3A_59, %swap3A_60] {strides = array<i32>} : memref<128x128xf32, #tpu.memory_space<vmem>>, vector<1x16xf32>,
      %swap3A_62 = vector.shape_cast %swap3A_61 : vector<1x16xf32> to vector<16xf32>
      %swap3A_63 = vector.shape_cast %broadcast_in_dim3A_3 : vector<16xf32> to vector<1x16xf32>
      tpu.vector_store %arg17[%swap3A_59, %swap3A_60], %swap3A_63 {strides = array<i32>} : memref<128x128xf32, #tpu.memory_space<vmem>>, vector<1x16xf32>,
      %swap3A_64 = arith.index_cast %scan3A_38 : i32 to index
      %swap3A_65 = arith.constant 80 : index
      %swap3A_66 = tpu.vector_load %arg17[%swap3A_64, %swap3A_65] {strides = array<i32>} : memref<128x128xf32, #tpu.memory_space<vmem>>, vector<1x16xf32>,
      %swap3A_67 = vector.shape_cast %swap3A_66 : vector<1x16xf32> to vector<16xf32>
      %swap3A_68 = vector.shape_cast %broadcast_in_dim3A_3 : vector<16xf32> to vector<1x16xf32>
      tpu.vector_store %arg17[%swap3A_64, %swap3A_65], %swap3A_68 {strides = array<i32>} : memref<128x128xf32, #tpu.memory_space<vmem>>, vector<1x16xf32>,
      %swap3A_69 = arith.index_cast %scan3A_38 : i32 to index
      %swap3A_70 = arith.constant 96 : index
      %swap3A_71 = tpu.vector_load %arg17[%swap3A_69, %swap3A_70] {strides = array<i32>} : memref<128x128xf32, #tpu.memory_space<vmem>>, vector<1x16xf32>,
      %swap3A_72 = vector.shape_cast %swap3A_71 : vector<1x16xf32> to vector<16xf32>
      %swap3A_73 = vector.shape_cast %broadcast_in_dim3A_3 : vector<16xf32> to vector<1x16xf32>
      tpu.vector_store %arg17[%swap3A_69, %swap3A_70], %swap3A_73 {strides = array<i32>} : memref<128x128xf32, #tpu.memory_space<vmem>>, vector<1x16xf32>,
      %swap3A_74 = arith.index_cast %scan3A_38 : i32 to index
      %swap3A_75 = arith.constant 112 : index
      %swap3A_76 = tpu.vector_load %arg17[%swap3A_74, %swap3A_75] {strides = array<i32>} : memref<128x128xf32, #tpu.memory_space<vmem>>, vector<1x16xf32>,
      %swap3A_77 = vector.shape_cast %swap3A_76 : vector<1x16xf32> to vector<16xf32>
      %swap3A_78 = vector.shape_cast %broadcast_in_dim3A_3 : vector<16xf32> to vector<1x16xf32>
      tpu.vector_store %arg17[%swap3A_74, %swap3A_75], %swap3A_78 {strides = array<i32>} : memref<128x128xf32, #tpu.memory_space<vmem>>, vector<1x16xf32>,
      %swap3A_79 = arith.index_cast %scan3A_38 : i32 to index
      %swap3A_80 = arith.constant 0 : index
      %swap3A_81 = tpu.vector_load %arg18[%swap3A_79, %swap3A_80] {strides = array<i32>} : memref<128x16xf32, #tpu.memory_space<vmem>>, vector<1x16xf32>,
      %swap3A_82 = vector.shape_cast %swap3A_81 : vector<1x16xf32> to vector<16xf32>
      %swap3A_83 = vector.shape_cast %broadcast_in_dim3A_3 : vector<16xf32> to vector<1x16xf32>
      tpu.vector_store %arg18[%swap3A_79, %swap3A_80], %swap3A_83 {strides = array<i32>} : memref<128x16xf32, #tpu.memory_space<vmem>>, vector<1x16xf32>,
      %scan3A_84 = arith.constant 0 : i32
      scf.yield %scan3A_84 : i32
    }
    %scan3A_9 = arith.constant 128 : i32
    %add3A_10 = arith.constant 0 : i32
    %add3A_11 = arith.addi %mul3A_2, %add3A_10 : i32
    "tpu.region"() ({
      %run_scoped3A = tpu.sem_alloc : memref<!tpu.dma_semaphore, #tpu.memory_space<semaphore_mem>>
      %dma_start3A = arith.constant 0 : i32
      %dma_start3A_38 = tpu.memref_slice %arg9[%add3A_11, %dma_start3A] : memref<10240x128xf32, #tpu.memory_space<vmem_shared>> -> memref<128x128xf32, #tpu.memory_space<vmem_shared>>
      %dma_start3A_39 = arith.constant 0 : i32
      %dma_start3A_40 = tpu.memref_slice %arg9[%add3A_11, %dma_start3A_39] : memref<10240x128xf32, #tpu.memory_space<vmem_shared>> -> memref<128x128xf32, #tpu.memory_space<vmem_shared>>
      tpu.enqueue_dma source(%arg17 : memref<128x128xf32, #tpu.memory_space<vmem>>) target(%dma_start3A_40 : memref<128x128xf32, #tpu.memory_space<vmem_shared>>) target_semaphore(%run_scoped3A : memref<!tpu.dma_semaphore, #tpu.memory_space<semaphore_mem>>)
      %dma_wait3A = arith.constant 0 : i32
      %dma_wait3A_41 = tpu.memref_slice %arg9[%add3A_11, %dma_wait3A] : memref<10240x128xf32, #tpu.memory_space<vmem_shared>> -> memref<128x128xf32, #tpu.memory_space<vmem_shared>>
      %dma_wait3A_42 = arith.constant 0 : i32
      %dma_wait3A_43 = tpu.memref_slice %arg9[%add3A_11, %dma_wait3A_42] : memref<10240x128xf32, #tpu.memory_space<vmem_shared>> -> memref<128x128xf32, #tpu.memory_space<vmem_shared>>
      tpu.wait_dma2 semaphore(%run_scoped3A : memref<!tpu.dma_semaphore, #tpu.memory_space<semaphore_mem>>) src(%arg17 : memref<128x128xf32, #tpu.memory_space<vmem>>) dst(%dma_wait3A_43 : memref<128x128xf32, #tpu.memory_space<vmem_shared>>)
      tpu.yield
    }) : () -> ()
    %add3A_12 = arith.constant 0 : i32
    %add3A_13 = arith.addi %mul3A_2, %add3A_12 : i32
    "tpu.region"() ({
      %run_scoped3A = tpu.sem_alloc : memref<!tpu.dma_semaphore, #tpu.memory_space<semaphore_mem>>
      %dma_start3A = arith.constant 0 : i32
      %dma_start3A_38 = tpu.memref_slice %arg10[%add3A_13, %dma_start3A] : memref<10240x16xf32, #tpu.memory_space<vmem_shared>> -> memref<128x16xf32, #tpu.memory_space<vmem_shared>>
      %dma_start3A_39 = arith.constant 0 : i32
      %dma_start3A_40 = tpu.memref_slice %arg10[%add3A_13, %dma_start3A_39] : memref<10240x16xf32, #tpu.memory_space<vmem_shared>> -> memref<128x16xf32, #tpu.memory_space<vmem_shared>>
      tpu.enqueue_dma source(%arg18 : memref<128x16xf32, #tpu.memory_space<vmem>>) target(%dma_start3A_40 : memref<128x16xf32, #tpu.memory_space<vmem_shared>>) target_semaphore(%run_scoped3A : memref<!tpu.dma_semaphore, #tpu.memory_space<semaphore_mem>>)
      %dma_wait3A = arith.constant 0 : i32
      %dma_wait3A_41 = tpu.memref_slice %arg10[%add3A_13, %dma_wait3A] : memref<10240x16xf32, #tpu.memory_space<vmem_shared>> -> memref<128x16xf32, #tpu.memory_space<vmem_shared>>
      %dma_wait3A_42 = arith.constant 0 : i32
      %dma_wait3A_43 = tpu.memref_slice %arg10[%add3A_13, %dma_wait3A_42] : memref<10240x16xf32, #tpu.memory_space<vmem_shared>> -> memref<128x16xf32, #tpu.memory_space<vmem_shared>>
      tpu.wait_dma2 semaphore(%run_scoped3A : memref<!tpu.dma_semaphore, #tpu.memory_space<semaphore_mem>>) src(%arg18 : memref<128x16xf32, #tpu.memory_space<vmem>>) dst(%dma_wait3A_43 : memref<128x16xf32, #tpu.memory_space<vmem_shared>>)
      tpu.yield
    }) : () -> ()
    %add3A_14 = arith.constant 128 : i32
    %add3A_15 = arith.addi %mul3A_2, %add3A_14 : i32
    "tpu.region"() ({
      %run_scoped3A = tpu.sem_alloc : memref<!tpu.dma_semaphore, #tpu.memory_space<semaphore_mem>>
      %dma_start3A = arith.constant 0 : i32
      %dma_start3A_38 = tpu.memref_slice %arg9[%add3A_15, %dma_start3A] : memref<10240x128xf32, #tpu.memory_space<vmem_shared>> -> memref<128x128xf32, #tpu.memory_space<vmem_shared>>
      %dma_start3A_39 = arith.constant 0 : i32
      %dma_start3A_40 = tpu.memref_slice %arg9[%add3A_15, %dma_start3A_39] : memref<10240x128xf32, #tpu.memory_space<vmem_shared>> -> memref<128x128xf32, #tpu.memory_space<vmem_shared>>
      tpu.enqueue_dma source(%arg17 : memref<128x128xf32, #tpu.memory_space<vmem>>) target(%dma_start3A_40 : memref<128x128xf32, #tpu.memory_space<vmem_shared>>) target_semaphore(%run_scoped3A : memref<!tpu.dma_semaphore, #tpu.memory_space<semaphore_mem>>)
      %dma_wait3A = arith.constant 0 : i32
      %dma_wait3A_41 = tpu.memref_slice %arg9[%add3A_15, %dma_wait3A] : memref<10240x128xf32, #tpu.memory_space<vmem_shared>> -> memref<128x128xf32, #tpu.memory_space<vmem_shared>>
      %dma_wait3A_42 = arith.constant 0 : i32
      %dma_wait3A_43 = tpu.memref_slice %arg9[%add3A_15, %dma_wait3A_42] : memref<10240x128xf32, #tpu.memory_space<vmem_shared>> -> memref<128x128xf32, #tpu.memory_space<vmem_shared>>
      tpu.wait_dma2 semaphore(%run_scoped3A : memref<!tpu.dma_semaphore, #tpu.memory_space<semaphore_mem>>) src(%arg17 : memref<128x128xf32, #tpu.memory_space<vmem>>) dst(%dma_wait3A_43 : memref<128x128xf32, #tpu.memory_space<vmem_shared>>)
      tpu.yield
    }) : () -> ()
    %add3A_16 = arith.constant 128 : i32
    %add3A_17 = arith.addi %mul3A_2, %add3A_16 : i32
    "tpu.region"() ({
      %run_scoped3A = tpu.sem_alloc : memref<!tpu.dma_semaphore, #tpu.memory_space<semaphore_mem>>
      %dma_start3A = arith.constant 0 : i32
      %dma_start3A_38 = tpu.memref_slice %arg10[%add3A_17, %dma_start3A] : memref<10240x16xf32, #tpu.memory_space<vmem_shared>> -> memref<128x16xf32, #tpu.memory_space<vmem_shared>>
      %dma_start3A_39 = arith.constant 0 : i32
      %dma_start3A_40 = tpu.memref_slice %arg10[%add3A_17, %dma_start3A_39] : memref<10240x16xf32, #tpu.memory_space<vmem_shared>> -> memref<128x16xf32, #tpu.memory_space<vmem_shared>>
      tpu.enqueue_dma source(%arg18 : memref<128x16xf32, #tpu.memory_space<vmem>>) target(%dma_start3A_40 : memref<128x16xf32, #tpu.memory_space<vmem_shared>>) target_semaphore(%run_scoped3A : memref<!tpu.dma_semaphore, #tpu.memory_space<semaphore_mem>>)
      %dma_wait3A = arith.constant 0 : i32
      %dma_wait3A_41 = tpu.memref_slice %arg10[%add3A_17, %dma_wait3A] : memref<10240x16xf32, #tpu.memory_space<vmem_shared>> -> memref<128x16xf32, #tpu.memory_space<vmem_shared>>
      %dma_wait3A_42 = arith.constant 0 : i32
      %dma_wait3A_43 = tpu.memref_slice %arg10[%add3A_17, %dma_wait3A_42] : memref<10240x16xf32, #tpu.memory_space<vmem_shared>> -> memref<128x16xf32, #tpu.memory_space<vmem_shared>>
      tpu.wait_dma2 semaphore(%run_scoped3A : memref<!tpu.dma_semaphore, #tpu.memory_space<semaphore_mem>>) src(%arg18 : memref<128x16xf32, #tpu.memory_space<vmem>>) dst(%dma_wait3A_43 : memref<128x16xf32, #tpu.memory_space<vmem_shared>>)
      tpu.yield
    }) : () -> ()
    %add3A_18 = arith.constant 256 : i32
    %add3A_19 = arith.addi %mul3A_2, %add3A_18 : i32
    "tpu.region"() ({
      %run_scoped3A = tpu.sem_alloc : memref<!tpu.dma_semaphore, #tpu.memory_space<semaphore_mem>>
      %dma_start3A = arith.constant 0 : i32
      %dma_start3A_38 = tpu.memref_slice %arg9[%add3A_19, %dma_start3A] : memref<10240x128xf32, #tpu.memory_space<vmem_shared>> -> memref<128x128xf32, #tpu.memory_space<vmem_shared>>
      %dma_start3A_39 = arith.constant 0 : i32
      %dma_start3A_40 = tpu.memref_slice %arg9[%add3A_19, %dma_start3A_39] : memref<10240x128xf32, #tpu.memory_space<vmem_shared>> -> memref<128x128xf32, #tpu.memory_space<vmem_shared>>
      tpu.enqueue_dma source(%arg17 : memref<128x128xf32, #tpu.memory_space<vmem>>) target(%dma_start3A_40 : memref<128x128xf32, #tpu.memory_space<vmem_shared>>) target_semaphore(%run_scoped3A : memref<!tpu.dma_semaphore, #tpu.memory_space<semaphore_mem>>)
      %dma_wait3A = arith.constant 0 : i32
      %dma_wait3A_41 = tpu.memref_slice %arg9[%add3A_19, %dma_wait3A] : memref<10240x128xf32, #tpu.memory_space<vmem_shared>> -> memref<128x128xf32, #tpu.memory_space<vmem_shared>>
      %dma_wait3A_42 = arith.constant 0 : i32
      %dma_wait3A_43 = tpu.memref_slice %arg9[%add3A_19, %dma_wait3A_42] : memref<10240x128xf32, #tpu.memory_space<vmem_shared>> -> memref<128x128xf32, #tpu.memory_space<vmem_shared>>
      tpu.wait_dma2 semaphore(%run_scoped3A : memref<!tpu.dma_semaphore, #tpu.memory_space<semaphore_mem>>) src(%arg17 : memref<128x128xf32, #tpu.memory_space<vmem>>) dst(%dma_wait3A_43 : memref<128x128xf32, #tpu.memory_space<vmem_shared>>)
      tpu.yield
    }) : () -> ()
    %add3A_20 = arith.constant 256 : i32
    %add3A_21 = arith.addi %mul3A_2, %add3A_20 : i32
    "tpu.region"() ({
      %run_scoped3A = tpu.sem_alloc : memref<!tpu.dma_semaphore, #tpu.memory_space<semaphore_mem>>
      %dma_start3A = arith.constant 0 : i32
      %dma_start3A_38 = tpu.memref_slice %arg10[%add3A_21, %dma_start3A] : memref<10240x16xf32, #tpu.memory_space<vmem_shared>> -> memref<128x16xf32, #tpu.memory_space<vmem_shared>>
      %dma_start3A_39 = arith.constant 0 : i32
      %dma_start3A_40 = tpu.memref_slice %arg10[%add3A_21, %dma_start3A_39] : memref<10240x16xf32, #tpu.memory_space<vmem_shared>> -> memref<128x16xf32, #tpu.memory_space<vmem_shared>>
      tpu.enqueue_dma source(%arg18 : memref<128x16xf32, #tpu.memory_space<vmem>>) target(%dma_start3A_40 : memref<128x16xf32, #tpu.memory_space<vmem_shared>>) target_semaphore(%run_scoped3A : memref<!tpu.dma_semaphore, #tpu.memory_space<semaphore_mem>>)
      %dma_wait3A = arith.constant 0 : i32
      %dma_wait3A_41 = tpu.memref_slice %arg10[%add3A_21, %dma_wait3A] : memref<10240x16xf32, #tpu.memory_space<vmem_shared>> -> memref<128x16xf32, #tpu.memory_space<vmem_shared>>
      %dma_wait3A_42 = arith.constant 0 : i32
      %dma_wait3A_43 = tpu.memref_slice %arg10[%add3A_21, %dma_wait3A_42] : memref<10240x16xf32, #tpu.memory_space<vmem_shared>> -> memref<128x16xf32, #tpu.memory_space<vmem_shared>>
      tpu.wait_dma2 semaphore(%run_scoped3A : memref<!tpu.dma_semaphore, #tpu.memory_space<semaphore_mem>>) src(%arg18 : memref<128x16xf32, #tpu.memory_space<vmem>>) dst(%dma_wait3A_43 : memref<128x16xf32, #tpu.memory_space<vmem_shared>>)
      tpu.yield
    }) : () -> ()
    %add3A_22 = arith.constant 384 : i32
    %add3A_23 = arith.addi %mul3A_2, %add3A_22 : i32
    "tpu.region"() ({
      %run_scoped3A = tpu.sem_alloc : memref<!tpu.dma_semaphore, #tpu.memory_space<semaphore_mem>>
      %dma_start3A = arith.constant 0 : i32
      %dma_start3A_38 = tpu.memref_slice %arg9[%add3A_23, %dma_start3A] : memref<10240x128xf32, #tpu.memory_space<vmem_shared>> -> memref<128x128xf32, #tpu.memory_space<vmem_shared>>
      %dma_start3A_39 = arith.constant 0 : i32
      %dma_start3A_40 = tpu.memref_slice %arg9[%add3A_23, %dma_start3A_39] : memref<10240x128xf32, #tpu.memory_space<vmem_shared>> -> memref<128x128xf32, #tpu.memory_space<vmem_shared>>
      tpu.enqueue_dma source(%arg17 : memref<128x128xf32, #tpu.memory_space<vmem>>) target(%dma_start3A_40 : memref<128x128xf32, #tpu.memory_space<vmem_shared>>) target_semaphore(%run_scoped3A : memref<!tpu.dma_semaphore, #tpu.memory_space<semaphore_mem>>)
      %dma_wait3A = arith.constant 0 : i32
      %dma_wait3A_41 = tpu.memref_slice %arg9[%add3A_23, %dma_wait3A] : memref<10240x128xf32, #tpu.memory_space<vmem_shared>> -> memref<128x128xf32, #tpu.memory_space<vmem_shared>>
      %dma_wait3A_42 = arith.constant 0 : i32
      %dma_wait3A_43 = tpu.memref_slice %arg9[%add3A_23, %dma_wait3A_42] : memref<10240x128xf32, #tpu.memory_space<vmem_shared>> -> memref<128x128xf32, #tpu.memory_space<vmem_shared>>
      tpu.wait_dma2 semaphore(%run_scoped3A : memref<!tpu.dma_semaphore, #tpu.memory_space<semaphore_mem>>) src(%arg17 : memref<128x128xf32, #tpu.memory_space<vmem>>) dst(%dma_wait3A_43 : memref<128x128xf32, #tpu.memory_space<vmem_shared>>)
      tpu.yield
    }) : () -> ()
    %add3A_24 = arith.constant 384 : i32
    %add3A_25 = arith.addi %mul3A_2, %add3A_24 : i32
    "tpu.region"() ({
      %run_scoped3A = tpu.sem_alloc : memref<!tpu.dma_semaphore, #tpu.memory_space<semaphore_mem>>
      %dma_start3A = arith.constant 0 : i32
      %dma_start3A_38 = tpu.memref_slice %arg10[%add3A_25, %dma_start3A] : memref<10240x16xf32, #tpu.memory_space<vmem_shared>> -> memref<128x16xf32, #tpu.memory_space<vmem_shared>>
      %dma_start3A_39 = arith.constant 0 : i32
      %dma_start3A_40 = tpu.memref_slice %arg10[%add3A_25, %dma_start3A_39] : memref<10240x16xf32, #tpu.memory_space<vmem_shared>> -> memref<128x16xf32, #tpu.memory_space<vmem_shared>>
      tpu.enqueue_dma source(%arg18 : memref<128x16xf32, #tpu.memory_space<vmem>>) target(%dma_start3A_40 : memref<128x16xf32, #tpu.memory_space<vmem_shared>>) target_semaphore(%run_scoped3A : memref<!tpu.dma_semaphore, #tpu.memory_space<semaphore_mem>>)
      %dma_wait3A = arith.constant 0 : i32
      %dma_wait3A_41 = tpu.memref_slice %arg10[%add3A_25, %dma_wait3A] : memref<10240x16xf32, #tpu.memory_space<vmem_shared>> -> memref<128x16xf32, #tpu.memory_space<vmem_shared>>
      %dma_wait3A_42 = arith.constant 0 : i32
      %dma_wait3A_43 = tpu.memref_slice %arg10[%add3A_25, %dma_wait3A_42] : memref<10240x16xf32, #tpu.memory_space<vmem_shared>> -> memref<128x16xf32, #tpu.memory_space<vmem_shared>>
      tpu.wait_dma2 semaphore(%run_scoped3A : memref<!tpu.dma_semaphore, #tpu.memory_space<semaphore_mem>>) src(%arg18 : memref<128x16xf32, #tpu.memory_space<vmem>>) dst(%dma_wait3A_43 : memref<128x16xf32, #tpu.memory_space<vmem_shared>>)
      tpu.yield
    }) : () -> ()
    %add3A_26 = arith.constant 512 : i32
    %add3A_27 = arith.addi %mul3A_2, %add3A_26 : i32
    "tpu.region"() ({
      %run_scoped3A = tpu.sem_alloc : memref<!tpu.dma_semaphore, #tpu.memory_space<semaphore_mem>>
      %dma_start3A = arith.constant 0 : i32
      %dma_start3A_38 = tpu.memref_slice %arg9[%add3A_27, %dma_start3A] : memref<10240x128xf32, #tpu.memory_space<vmem_shared>> -> memref<128x128xf32, #tpu.memory_space<vmem_shared>>
      %dma_start3A_39 = arith.constant 0 : i32
      %dma_start3A_40 = tpu.memref_slice %arg9[%add3A_27, %dma_start3A_39] : memref<10240x128xf32, #tpu.memory_space<vmem_shared>> -> memref<128x128xf32, #tpu.memory_space<vmem_shared>>
      tpu.enqueue_dma source(%arg17 : memref<128x128xf32, #tpu.memory_space<vmem>>) target(%dma_start3A_40 : memref<128x128xf32, #tpu.memory_space<vmem_shared>>) target_semaphore(%run_scoped3A : memref<!tpu.dma_semaphore, #tpu.memory_space<semaphore_mem>>)
      %dma_wait3A = arith.constant 0 : i32
      %dma_wait3A_41 = tpu.memref_slice %arg9[%add3A_27, %dma_wait3A] : memref<10240x128xf32, #tpu.memory_space<vmem_shared>> -> memref<128x128xf32, #tpu.memory_space<vmem_shared>>
      %dma_wait3A_42 = arith.constant 0 : i32
      %dma_wait3A_43 = tpu.memref_slice %arg9[%add3A_27, %dma_wait3A_42] : memref<10240x128xf32, #tpu.memory_space<vmem_shared>> -> memref<128x128xf32, #tpu.memory_space<vmem_shared>>
      tpu.wait_dma2 semaphore(%run_scoped3A : memref<!tpu.dma_semaphore, #tpu.memory_space<semaphore_mem>>) src(%arg17 : memref<128x128xf32, #tpu.memory_space<vmem>>) dst(%dma_wait3A_43 : memref<128x128xf32, #tpu.memory_space<vmem_shared>>)
      tpu.yield
    }) : () -> ()
    %add3A_28 = arith.constant 512 : i32
    %add3A_29 = arith.addi %mul3A_2, %add3A_28 : i32
    "tpu.region"() ({
      %run_scoped3A = tpu.sem_alloc : memref<!tpu.dma_semaphore, #tpu.memory_space<semaphore_mem>>
      %dma_start3A = arith.constant 0 : i32
      %dma_start3A_38 = tpu.memref_slice %arg10[%add3A_29, %dma_start3A] : memref<10240x16xf32, #tpu.memory_space<vmem_shared>> -> memref<128x16xf32, #tpu.memory_space<vmem_shared>>
      %dma_start3A_39 = arith.constant 0 : i32
      %dma_start3A_40 = tpu.memref_slice %arg10[%add3A_29, %dma_start3A_39] : memref<10240x16xf32, #tpu.memory_space<vmem_shared>> -> memref<128x16xf32, #tpu.memory_space<vmem_shared>>
      tpu.enqueue_dma source(%arg18 : memref<128x16xf32, #tpu.memory_space<vmem>>) target(%dma_start3A_40 : memref<128x16xf32, #tpu.memory_space<vmem_shared>>) target_semaphore(%run_scoped3A : memref<!tpu.dma_semaphore, #tpu.memory_space<semaphore_mem>>)
      %dma_wait3A = arith.constant 0 : i32
      %dma_wait3A_41 = tpu.memref_slice %arg10[%add3A_29, %dma_wait3A] : memref<10240x16xf32, #tpu.memory_space<vmem_shared>> -> memref<128x16xf32, #tpu.memory_space<vmem_shared>>
      %dma_wait3A_42 = arith.constant 0 : i32
      %dma_wait3A_43 = tpu.memref_slice %arg10[%add3A_29, %dma_wait3A_42] : memref<10240x16xf32, #tpu.memory_space<vmem_shared>> -> memref<128x16xf32, #tpu.memory_space<vmem_shared>>
      tpu.wait_dma2 semaphore(%run_scoped3A : memref<!tpu.dma_semaphore, #tpu.memory_space<semaphore_mem>>) src(%arg18 : memref<128x16xf32, #tpu.memory_space<vmem>>) dst(%dma_wait3A_43 : memref<128x16xf32, #tpu.memory_space<vmem_shared>>)
      tpu.yield
    }) : () -> ()
    %barrier3A = arith.constant 0 : index
    tpu.barrier barrier_id(%barrier3A)
    %scan3A_30 = arith.constant 0 : i32
    %scan3A_31 = arith.constant 0 : i32
    %scan3A_32 = arith.constant 40 : i32
    %scan3A_33 = arith.addi %scan3A_31, %scan3A_32 : i32
    %scan3A_34 = arith.constant 1 : i32
    %scan3A_35 = scf.for %scan3A_38 = %scan3A_31 to %scan3A_33 step %scan3A_34 iter_args(%scan3A_39 = %scan3A_30) -> (i32)  : i32 {
      %mul3A_40 = arith.constant 5120 : i32
      %mul3A_41 = arith.muli %add3A, %mul3A_40 : i32
      %mul3A_42 = arith.constant 128 : i32
      %mul3A_43 = arith.muli %scan3A_38, %mul3A_42 : i32
      %add3A_44 = arith.addi %mul3A_41, %mul3A_43 : i32
      "tpu.region"() ({
        %run_scoped3A = tpu.sem_alloc : memref<!tpu.dma_semaphore, #tpu.memory_space<semaphore_mem>>
        %dma_start3A_76 = tpu.memref_slice %arg4[%add3A_44] : memref<163840xi32, #tpu.memory_space<hbm>> -> memref<128xi32, #tpu.memory_space<hbm>>
        %dma_start3A_77 = tpu.memref_slice %arg4[%add3A_44] : memref<163840xi32, #tpu.memory_space<hbm>> -> memref<128xi32, #tpu.memory_space<hbm>>
        tpu.enqueue_dma source(%dma_start3A_77 : memref<128xi32, #tpu.memory_space<hbm>>) target(%arg11 : memref<128xi32, #tpu.memory_space<vmem>>) target_semaphore(%run_scoped3A : memref<!tpu.dma_semaphore, #tpu.memory_space<semaphore_mem>>)
        %dma_wait3A_78 = tpu.memref_slice %arg4[%add3A_44] : memref<163840xi32, #tpu.memory_space<hbm>> -> memref<128xi32, #tpu.memory_space<hbm>>
        %dma_wait3A_79 = tpu.memref_slice %arg4[%add3A_44] : memref<163840xi32, #tpu.memory_space<hbm>> -> memref<128xi32, #tpu.memory_space<hbm>>
        tpu.wait_dma2 semaphore(%run_scoped3A : memref<!tpu.dma_semaphore, #tpu.memory_space<semaphore_mem>>) src(%dma_wait3A_79 : memref<128xi32, #tpu.memory_space<hbm>>) dst(%arg11 : memref<128xi32, #tpu.memory_space<vmem>>)
        tpu.yield
      }) : () -> ()
      "tpu.region"() ({
        %run_scoped3A = tpu.sem_alloc : memref<!tpu.dma_semaphore, #tpu.memory_space<semaphore_mem>>
        %dma_start3A_76 = tpu.memref_slice %arg5[%add3A_44] : memref<163840xi32, #tpu.memory_space<hbm>> -> memref<128xi32, #tpu.memory_space<hbm>>
        %dma_start3A_77 = tpu.memref_slice %arg5[%add3A_44] : memref<163840xi32, #tpu.memory_space<hbm>> -> memref<128xi32, #tpu.memory_space<hbm>>
        tpu.enqueue_dma source(%dma_start3A_77 : memref<128xi32, #tpu.memory_space<hbm>>) target(%arg12 : memref<128xi32, #tpu.memory_space<vmem>>) target_semaphore(%run_scoped3A : memref<!tpu.dma_semaphore, #tpu.memory_space<semaphore_mem>>)
        %dma_wait3A_78 = tpu.memref_slice %arg5[%add3A_44] : memref<163840xi32, #tpu.memory_space<hbm>> -> memref<128xi32, #tpu.memory_space<hbm>>
        %dma_wait3A_79 = tpu.memref_slice %arg5[%add3A_44] : memref<163840xi32, #tpu.memory_space<hbm>> -> memref<128xi32, #tpu.memory_space<hbm>>
        tpu.wait_dma2 semaphore(%run_scoped3A : memref<!tpu.dma_semaphore, #tpu.memory_space<semaphore_mem>>) src(%dma_wait3A_79 : memref<128xi32, #tpu.memory_space<hbm>>) dst(%arg12 : memref<128xi32, #tpu.memory_space<vmem>>)
        tpu.yield
      }) : () -> ()
      %dma_start3A = arith.constant 0 : i32
      %dma_start3A_45 = arith.constant 0 : i32
      %dma_start3A_46 = tpu.memref_slice %arg3[%dma_start3A, %dma_start3A_45] : memref<10240x128xf32, #tpu.memory_space<hbm>> -> memref<10240x128xf32, #tpu.memory_space<hbm>>
      tpu.enqueue_indirect_dma source(%dma_start3A_46 : memref<10240x128xf32, #tpu.memory_space<hbm>>) target(%arg17 : memref<128x128xf32, #tpu.memory_space<vmem>>) offsets(%arg11 : memref<128xi32, #tpu.memory_space<vmem>>) semaphore(%arg21 : memref<!tpu.dma_semaphore, #tpu.memory_space<semaphore_mem>>)
      %dma_start3A_47 = arith.constant 0 : i32
      %dma_start3A_48 = arith.constant 0 : i32
      %dma_start3A_49 = tpu.memref_slice %arg2[%dma_start3A_47, %dma_start3A_48] : memref<10240x32xf32, #tpu.memory_space<hbm>> -> memref<10240x32xf32, #tpu.memory_space<hbm>>
      tpu.enqueue_indirect_dma source(%dma_start3A_49 : memref<10240x32xf32, #tpu.memory_space<hbm>>) target(%arg13 : memref<128x32xf32, #tpu.memory_space<vmem>>) offsets(%arg11 : memref<128xi32, #tpu.memory_space<vmem>>) semaphore(%arg19 : memref<!tpu.dma_semaphore, #tpu.memory_space<semaphore_mem>>)
      %dma_start3A_50 = arith.constant 0 : i32
      %dma_start3A_51 = arith.constant 0 : i32
      %dma_start3A_52 = tpu.memref_slice %arg2[%dma_start3A_50, %dma_start3A_51] : memref<10240x32xf32, #tpu.memory_space<hbm>> -> memref<10240x32xf32, #tpu.memory_space<hbm>>
      tpu.enqueue_indirect_dma source(%dma_start3A_52 : memref<10240x32xf32, #tpu.memory_space<hbm>>) target(%arg14 : memref<128x32xf32, #tpu.memory_space<vmem>>) offsets(%arg12 : memref<128xi32, #tpu.memory_space<vmem>>) semaphore(%arg20 : memref<!tpu.dma_semaphore, #tpu.memory_space<semaphore_mem>>)
      "tpu.region"() ({
        %run_scoped3A = tpu.sem_alloc : memref<!tpu.dma_semaphore, #tpu.memory_space<semaphore_mem>>
        %dma_start3A_76 = arith.constant 0 : i32
        %dma_start3A_77 = tpu.memref_slice %arg6[%add3A_44, %dma_start3A_76] : memref<163840x16xf32, #tpu.memory_space<hbm>> -> memref<128x16xf32, #tpu.memory_space<hbm>>
        %dma_start3A_78 = arith.constant 0 : i32
        %dma_start3A_79 = tpu.memref_slice %arg6[%add3A_44, %dma_start3A_78] : memref<163840x16xf32, #tpu.memory_space<hbm>> -> memref<128x16xf32, #tpu.memory_space<hbm>>
        tpu.enqueue_dma source(%dma_start3A_79 : memref<128x16xf32, #tpu.memory_space<hbm>>) target(%arg15 : memref<128x16xf32, #tpu.memory_space<vmem>>) target_semaphore(%run_scoped3A : memref<!tpu.dma_semaphore, #tpu.memory_space<semaphore_mem>>)
        %dma_wait3A_80 = arith.constant 0 : i32
        %dma_wait3A_81 = tpu.memref_slice %arg6[%add3A_44, %dma_wait3A_80] : memref<163840x16xf32, #tpu.memory_space<hbm>> -> memref<128x16xf32, #tpu.memory_space<hbm>>
        %dma_wait3A_82 = arith.constant 0 : i32
        %dma_wait3A_83 = tpu.memref_slice %arg6[%add3A_44, %dma_wait3A_82] : memref<163840x16xf32, #tpu.memory_space<hbm>> -> memref<128x16xf32, #tpu.memory_space<hbm>>
        tpu.wait_dma2 semaphore(%run_scoped3A : memref<!tpu.dma_semaphore, #tpu.memory_space<semaphore_mem>>) src(%dma_wait3A_83 : memref<128x16xf32, #tpu.memory_space<hbm>>) dst(%arg15 : memref<128x16xf32, #tpu.memory_space<vmem>>)
        tpu.yield
      }) : () -> ()
      %dma_wait3A = arith.constant 0 : i32
      %dma_wait3A_53 = arith.constant 0 : i32
      %dma_wait3A_54 = tpu.memref_slice %arg2[%dma_wait3A, %dma_wait3A_53] : memref<10240x32xf32, #tpu.memory_space<hbm>> -> memref<10240x32xf32, #tpu.memory_space<hbm>>
      tpu.wait_indirect_dma semaphore(%arg19 : memref<!tpu.dma_semaphore, #tpu.memory_space<semaphore_mem>>) src(%dma_wait3A_54 : memref<10240x32xf32, #tpu.memory_space<hbm>>) dst(%arg13 : memref<128x32xf32, #tpu.memory_space<vmem>>)
      %dma_wait3A_55 = arith.constant 0 : i32
      %dma_wait3A_56 = arith.constant 0 : i32
      %dma_wait3A_57 = tpu.memref_slice %arg2[%dma_wait3A_55, %dma_wait3A_56] : memref<10240x32xf32, #tpu.memory_space<hbm>> -> memref<10240x32xf32, #tpu.memory_space<hbm>>
      tpu.wait_indirect_dma semaphore(%arg20 : memref<!tpu.dma_semaphore, #tpu.memory_space<semaphore_mem>>) src(%dma_wait3A_57 : memref<10240x32xf32, #tpu.memory_space<hbm>>) dst(%arg14 : memref<128x32xf32, #tpu.memory_space<vmem>>)
      %scan3A_58 = arith.constant 0 : i32
      %scan3A_59 = arith.constant 0 : i32
      %scan3A_60 = arith.constant 128 : i32
      %scan3A_61 = arith.addi %scan3A_59, %scan3A_60 : i32
      %scan3A_62 = arith.constant 1 : i32
      %scan3A_63 = scf.for %scan3A_76 = %scan3A_59 to %scan3A_61 step %scan3A_62 iter_args(%scan3A_77 = %scan3A_58) -> (i32)  : i32 {
        %get3A = arith.index_cast %scan3A_76 : i32 to index
        %get3A_78 = arith.constant 0 : index
        %get3A_79 = tpu.vector_load %arg14[%get3A, %get3A_78] {strides = array<i32>} : memref<128x32xf32, #tpu.memory_space<vmem>>, vector<1x16xf32>,
        %get3A_80 = vector.shape_cast %get3A_79 : vector<1x16xf32> to vector<16xf32>
        %get3A_81 = arith.index_cast %scan3A_76 : i32 to index
        %get3A_82 = arith.constant 16 : index
        %get3A_83 = tpu.vector_load %arg13[%get3A_81, %get3A_82] {strides = array<i32>} : memref<128x32xf32, #tpu.memory_space<vmem>>, vector<1x16xf32>,
        %get3A_84 = vector.shape_cast %get3A_83 : vector<1x16xf32> to vector<16xf32>
        %add3A_85 = arith.addf %get3A_80, %get3A_84 : vector<16xf32>
        %get3A_86 = arith.index_cast %scan3A_76 : i32 to index
        %get3A_87 = arith.constant 0 : index
        %get3A_88 = tpu.vector_load %arg15[%get3A_86, %get3A_87] {strides = array<i32>} : memref<128x16xf32, #tpu.memory_space<vmem>>, vector<1x16xf32>,
        %get3A_89 = vector.shape_cast %get3A_88 : vector<1x16xf32> to vector<16xf32>
        %add3A_90 = arith.addf %add3A_85, %get3A_89 : vector<16xf32>
        %gt3A = arith.constant 0.000000e+00 : f32
        %gt3A_91 = vector.broadcast %gt3A : f32 to vector<16xf32>
        %gt3A_92 = arith.cmpf ogt, %add3A_90, %gt3A_91 : vector<16xf32>
        %mul3A_93 = arith.constant 0.00999999977 : f32
        %mul3A_94 = vector.broadcast %mul3A_93 : f32 to vector<16xf32>
        %mul3A_95 = arith.mulf %mul3A_94, %add3A_90 : vector<16xf32>
        %select_n3A = arith.select %gt3A_92, %add3A_90, %mul3A_95 : vector<16xi1>, vector<16xf32>
        %exp3A = math.exp %select_n3A : vector<16xf32>
        %swap3A = arith.index_cast %scan3A_76 : i32 to index
        %swap3A_96 = arith.constant 0 : index
        %swap3A_97 = tpu.vector_load %arg16[%swap3A, %swap3A_96] {strides = array<i32>} : memref<128x16xf32, #tpu.memory_space<vmem>>, vector<1x16xf32>,
        %swap3A_98 = vector.shape_cast %swap3A_97 : vector<1x16xf32> to vector<16xf32>
        %swap3A_99 = vector.shape_cast %exp3A : vector<16xf32> to vector<1x16xf32>
        tpu.vector_store %arg16[%swap3A, %swap3A_96], %swap3A_99 {strides = array<i32>} : memref<128x16xf32, #tpu.memory_space<vmem>>, vector<1x16xf32>,
        %scan3A_100 = arith.constant 0 : i32
        scf.yield %scan3A_100 : i32
      }
      %scan3A_64 = arith.constant 128 : i32
      "tpu.region"() ({
        %run_scoped3A = tpu.sem_alloc : memref<!tpu.dma_semaphore, #tpu.memory_space<semaphore_mem>>
        %dma_start3A_76 = arith.constant 0 : i32
        %dma_start3A_77 = arith.constant 0 : i32
        %dma_start3A_78 = tpu.memref_slice %arg10[%dma_start3A_76, %dma_start3A_77] : memref<10240x16xf32, #tpu.memory_space<vmem_shared>> -> memref<10240x16xf32, #tpu.memory_space<vmem_shared>>
        tpu.enqueue_indirect_dma source(%arg16 : memref<128x16xf32, #tpu.memory_space<vmem>>) target(%dma_start3A_78 : memref<10240x16xf32, #tpu.memory_space<vmem_shared>>) offsets(%arg12 : memref<128xi32, #tpu.memory_space<vmem>>) semaphore(%run_scoped3A : memref<!tpu.dma_semaphore, #tpu.memory_space<semaphore_mem>>) {add = true}
        %dma_wait3A_79 = arith.constant 0 : i32
        %dma_wait3A_80 = arith.constant 0 : i32
        %dma_wait3A_81 = tpu.memref_slice %arg10[%dma_wait3A_79, %dma_wait3A_80] : memref<10240x16xf32, #tpu.memory_space<vmem_shared>> -> memref<10240x16xf32, #tpu.memory_space<vmem_shared>>
        tpu.wait_indirect_dma semaphore(%run_scoped3A : memref<!tpu.dma_semaphore, #tpu.memory_space<semaphore_mem>>) src(%arg16 : memref<128x16xf32, #tpu.memory_space<vmem>>) dst(%dma_wait3A_81 : memref<10240x16xf32, #tpu.memory_space<vmem_shared>>)
        tpu.yield
      }) : () -> ()
      %dma_wait3A_65 = arith.constant 0 : i32
      %dma_wait3A_66 = arith.constant 0 : i32
      %dma_wait3A_67 = tpu.memref_slice %arg3[%dma_wait3A_65, %dma_wait3A_66] : memref<10240x128xf32, #tpu.memory_space<hbm>> -> memref<10240x128xf32, #tpu.memory_space<hbm>>
      tpu.wait_indirect_dma semaphore(%arg21 : memref<!tpu.dma_semaphore, #tpu.memory_space<semaphore_mem>>) src(%dma_wait3A_67 : memref<10240x128xf32, #tpu.memory_space<hbm>>) dst(%arg17 : memref<128x128xf32, #tpu.memory_space<vmem>>)
      %scan3A_68 = arith.constant 0 : i32
      %scan3A_69 = arith.constant 0 : i32
      %scan3A_70 = arith.constant 128 : i32
      %scan3A_71 = arith.addi %scan3A_69, %scan3A_70 : i32
      %scan3A_72 = arith.constant 1 : i32
      %scan3A_73 = scf.for %scan3A_76 = %scan3A_69 to %scan3A_71 step %scan3A_72 iter_args(%scan3A_77 = %scan3A_68) -> (i32)  : i32 {
        %get3A = arith.index_cast %scan3A_76 : i32 to index
        %get3A_78 = arith.constant 0 : index
        %get3A_79 = tpu.vector_load %arg16[%get3A, %get3A_78] {strides = array<i32>} : memref<128x16xf32, #tpu.memory_space<vmem>>, vector<1x16xf32>,
        %get3A_80 = vector.shape_cast %get3A_79 : vector<1x16xf32> to vector<16xf32>
        %slice3A = vector.extract_strided_slice %get3A_80 {offsets = [0], sizes = [1], strides = [1]} : vector<16xf32> to vector<1xf32>
        %squeeze3A = vector.extract %slice3A[0] : f32 from vector<1xf32>
        %broadcast_in_dim3A_81 = vector.broadcast %squeeze3A : f32 to vector<16xf32>
        %get3A_82 = arith.index_cast %scan3A_76 : i32 to index
        %get3A_83 = arith.constant 0 : index
        %get3A_84 = tpu.vector_load %arg17[%get3A_82, %get3A_83] {strides = array<i32>} : memref<128x128xf32, #tpu.memory_space<vmem>>, vector<1x16xf32>,
        %get3A_85 = vector.shape_cast %get3A_84 : vector<1x16xf32> to vector<16xf32>
        %mul3A_86 = arith.mulf %get3A_85, %broadcast_in_dim3A_81 : vector<16xf32>
        %swap3A = arith.index_cast %scan3A_76 : i32 to index
        %swap3A_87 = arith.constant 0 : index
        %swap3A_88 = tpu.vector_load %arg17[%swap3A, %swap3A_87] {strides = array<i32>} : memref<128x128xf32, #tpu.memory_space<vmem>>, vector<1x16xf32>,
        %swap3A_89 = vector.shape_cast %swap3A_88 : vector<1x16xf32> to vector<16xf32>
        %swap3A_90 = vector.shape_cast %mul3A_86 : vector<16xf32> to vector<1x16xf32>
        tpu.vector_store %arg17[%swap3A, %swap3A_87], %swap3A_90 {strides = array<i32>} : memref<128x128xf32, #tpu.memory_space<vmem>>, vector<1x16xf32>,
        %slice3A_91 = vector.extract_strided_slice %get3A_80 {offsets = [1], sizes = [1], strides = [1]} : vector<16xf32> to vector<1xf32>
        %squeeze3A_92 = vector.extract %slice3A_91[0] : f32 from vector<1xf32>
        %broadcast_in_dim3A_93 = vector.broadcast %squeeze3A_92 : f32 to vector<16xf32>
        %get3A_94 = arith.index_cast %scan3A_76 : i32 to index
        %get3A_95 = arith.constant 16 : index
        %get3A_96 = tpu.vector_load %arg17[%get3A_94, %get3A_95] {strides = array<i32>} : memref<128x128xf32, #tpu.memory_space<vmem>>, vector<1x16xf32>,
        %get3A_97 = vector.shape_cast %get3A_96 : vector<1x16xf32> to vector<16xf32>
        %mul3A_98 = arith.mulf %get3A_97, %broadcast_in_dim3A_93 : vector<16xf32>
        %swap3A_99 = arith.index_cast %scan3A_76 : i32 to index
        %swap3A_100 = arith.constant 16 : index
        %swap3A_101 = tpu.vector_load %arg17[%swap3A_99, %swap3A_100] {strides = array<i32>} : memref<128x128xf32, #tpu.memory_space<vmem>>, vector<1x16xf32>,
        %swap3A_102 = vector.shape_cast %swap3A_101 : vector<1x16xf32> to vector<16xf32>
        %swap3A_103 = vector.shape_cast %mul3A_98 : vector<16xf32> to vector<1x16xf32>
        tpu.vector_store %arg17[%swap3A_99, %swap3A_100], %swap3A_103 {strides = array<i32>} : memref<128x128xf32, #tpu.memory_space<vmem>>, vector<1x16xf32>,
        %slice3A_104 = vector.extract_strided_slice %get3A_80 {offsets = [2], sizes = [1], strides = [1]} : vector<16xf32> to vector<1xf32>
        %squeeze3A_105 = vector.extract %slice3A_104[0] : f32 from vector<1xf32>
        %broadcast_in_dim3A_106 = vector.broadcast %squeeze3A_105 : f32 to vector<16xf32>
        %get3A_107 = arith.index_cast %scan3A_76 : i32 to index
        %get3A_108 = arith.constant 32 : index
        %get3A_109 = tpu.vector_load %arg17[%get3A_107, %get3A_108] {strides = array<i32>} : memref<128x128xf32, #tpu.memory_space<vmem>>, vector<1x16xf32>,
        %get3A_110 = vector.shape_cast %get3A_109 : vector<1x16xf32> to vector<16xf32>
        %mul3A_111 = arith.mulf %get3A_110, %broadcast_in_dim3A_106 : vector<16xf32>
        %swap3A_112 = arith.index_cast %scan3A_76 : i32 to index
        %swap3A_113 = arith.constant 32 : index
        %swap3A_114 = tpu.vector_load %arg17[%swap3A_112, %swap3A_113] {strides = array<i32>} : memref<128x128xf32, #tpu.memory_space<vmem>>, vector<1x16xf32>,
        %swap3A_115 = vector.shape_cast %swap3A_114 : vector<1x16xf32> to vector<16xf32>
        %swap3A_116 = vector.shape_cast %mul3A_111 : vector<16xf32> to vector<1x16xf32>
        tpu.vector_store %arg17[%swap3A_112, %swap3A_113], %swap3A_116 {strides = array<i32>} : memref<128x128xf32, #tpu.memory_space<vmem>>, vector<1x16xf32>,
        %slice3A_117 = vector.extract_strided_slice %get3A_80 {offsets = [3], sizes = [1], strides = [1]} : vector<16xf32> to vector<1xf32>
        %squeeze3A_118 = vector.extract %slice3A_117[0] : f32 from vector<1xf32>
        %broadcast_in_dim3A_119 = vector.broadcast %squeeze3A_118 : f32 to vector<16xf32>
        %get3A_120 = arith.index_cast %scan3A_76 : i32 to index
        %get3A_121 = arith.constant 48 : index
        %get3A_122 = tpu.vector_load %arg17[%get3A_120, %get3A_121] {strides = array<i32>} : memref<128x128xf32, #tpu.memory_space<vmem>>, vector<1x16xf32>,
        %get3A_123 = vector.shape_cast %get3A_122 : vector<1x16xf32> to vector<16xf32>
        %mul3A_124 = arith.mulf %get3A_123, %broadcast_in_dim3A_119 : vector<16xf32>
        %swap3A_125 = arith.index_cast %scan3A_76 : i32 to index
        %swap3A_126 = arith.constant 48 : index
        %swap3A_127 = tpu.vector_load %arg17[%swap3A_125, %swap3A_126] {strides = array<i32>} : memref<128x128xf32, #tpu.memory_space<vmem>>, vector<1x16xf32>,
        %swap3A_128 = vector.shape_cast %swap3A_127 : vector<1x16xf32> to vector<16xf32>
        %swap3A_129 = vector.shape_cast %mul3A_124 : vector<16xf32> to vector<1x16xf32>
        tpu.vector_store %arg17[%swap3A_125, %swap3A_126], %swap3A_129 {strides = array<i32>} : memref<128x128xf32, #tpu.memory_space<vmem>>, vector<1x16xf32>,
        %slice3A_130 = vector.extract_strided_slice %get3A_80 {offsets = [4], sizes = [1], strides = [1]} : vector<16xf32> to vector<1xf32>
        %squeeze3A_131 = vector.extract %slice3A_130[0] : f32 from vector<1xf32>
        %broadcast_in_dim3A_132 = vector.broadcast %squeeze3A_131 : f32 to vector<16xf32>
        %get3A_133 = arith.index_cast %scan3A_76 : i32 to index
        %get3A_134 = arith.constant 64 : index
        %get3A_135 = tpu.vector_load %arg17[%get3A_133, %get3A_134] {strides = array<i32>} : memref<128x128xf32, #tpu.memory_space<vmem>>, vector<1x16xf32>,
        %get3A_136 = vector.shape_cast %get3A_135 : vector<1x16xf32> to vector<16xf32>
        %mul3A_137 = arith.mulf %get3A_136, %broadcast_in_dim3A_132 : vector<16xf32>
        %swap3A_138 = arith.index_cast %scan3A_76 : i32 to index
        %swap3A_139 = arith.constant 64 : index
        %swap3A_140 = tpu.vector_load %arg17[%swap3A_138, %swap3A_139] {strides = array<i32>} : memref<128x128xf32, #tpu.memory_space<vmem>>, vector<1x16xf32>,
        %swap3A_141 = vector.shape_cast %swap3A_140 : vector<1x16xf32> to vector<16xf32>
        %swap3A_142 = vector.shape_cast %mul3A_137 : vector<16xf32> to vector<1x16xf32>
        tpu.vector_store %arg17[%swap3A_138, %swap3A_139], %swap3A_142 {strides = array<i32>} : memref<128x128xf32, #tpu.memory_space<vmem>>, vector<1x16xf32>,
        %slice3A_143 = vector.extract_strided_slice %get3A_80 {offsets = [5], sizes = [1], strides = [1]} : vector<16xf32> to vector<1xf32>
        %squeeze3A_144 = vector.extract %slice3A_143[0] : f32 from vector<1xf32>
        %broadcast_in_dim3A_145 = vector.broadcast %squeeze3A_144 : f32 to vector<16xf32>
        %get3A_146 = arith.index_cast %scan3A_76 : i32 to index
        %get3A_147 = arith.constant 80 : index
        %get3A_148 = tpu.vector_load %arg17[%get3A_146, %get3A_147] {strides = array<i32>} : memref<128x128xf32, #tpu.memory_space<vmem>>, vector<1x16xf32>,
        %get3A_149 = vector.shape_cast %get3A_148 : vector<1x16xf32> to vector<16xf32>
        %mul3A_150 = arith.mulf %get3A_149, %broadcast_in_dim3A_145 : vector<16xf32>
        %swap3A_151 = arith.index_cast %scan3A_76 : i32 to index
        %swap3A_152 = arith.constant 80 : index
        %swap3A_153 = tpu.vector_load %arg17[%swap3A_151, %swap3A_152] {strides = array<i32>} : memref<128x128xf32, #tpu.memory_space<vmem>>, vector<1x16xf32>,
        %swap3A_154 = vector.shape_cast %swap3A_153 : vector<1x16xf32> to vector<16xf32>
        %swap3A_155 = vector.shape_cast %mul3A_150 : vector<16xf32> to vector<1x16xf32>
        tpu.vector_store %arg17[%swap3A_151, %swap3A_152], %swap3A_155 {strides = array<i32>} : memref<128x128xf32, #tpu.memory_space<vmem>>, vector<1x16xf32>,
        %slice3A_156 = vector.extract_strided_slice %get3A_80 {offsets = [6], sizes = [1], strides = [1]} : vector<16xf32> to vector<1xf32>
        %squeeze3A_157 = vector.extract %slice3A_156[0] : f32 from vector<1xf32>
        %broadcast_in_dim3A_158 = vector.broadcast %squeeze3A_157 : f32 to vector<16xf32>
        %get3A_159 = arith.index_cast %scan3A_76 : i32 to index
        %get3A_160 = arith.constant 96 : index
        %get3A_161 = tpu.vector_load %arg17[%get3A_159, %get3A_160] {strides = array<i32>} : memref<128x128xf32, #tpu.memory_space<vmem>>, vector<1x16xf32>,
        %get3A_162 = vector.shape_cast %get3A_161 : vector<1x16xf32> to vector<16xf32>
        %mul3A_163 = arith.mulf %get3A_162, %broadcast_in_dim3A_158 : vector<16xf32>
        %swap3A_164 = arith.index_cast %scan3A_76 : i32 to index
        %swap3A_165 = arith.constant 96 : index
        %swap3A_166 = tpu.vector_load %arg17[%swap3A_164, %swap3A_165] {strides = array<i32>} : memref<128x128xf32, #tpu.memory_space<vmem>>, vector<1x16xf32>,
        %swap3A_167 = vector.shape_cast %swap3A_166 : vector<1x16xf32> to vector<16xf32>
        %swap3A_168 = vector.shape_cast %mul3A_163 : vector<16xf32> to vector<1x16xf32>
        tpu.vector_store %arg17[%swap3A_164, %swap3A_165], %swap3A_168 {strides = array<i32>} : memref<128x128xf32, #tpu.memory_space<vmem>>, vector<1x16xf32>,
        %slice3A_169 = vector.extract_strided_slice %get3A_80 {offsets = [7], sizes = [1], strides = [1]} : vector<16xf32> to vector<1xf32>
        %squeeze3A_170 = vector.extract %slice3A_169[0] : f32 from vector<1xf32>
        %broadcast_in_dim3A_171 = vector.broadcast %squeeze3A_170 : f32 to vector<16xf32>
        %get3A_172 = arith.index_cast %scan3A_76 : i32 to index
        %get3A_173 = arith.constant 112 : index
        %get3A_174 = tpu.vector_load %arg17[%get3A_172, %get3A_173] {strides = array<i32>} : memref<128x128xf32, #tpu.memory_space<vmem>>, vector<1x16xf32>,
        %get3A_175 = vector.shape_cast %get3A_174 : vector<1x16xf32> to vector<16xf32>
        %mul3A_176 = arith.mulf %get3A_175, %broadcast_in_dim3A_171 : vector<16xf32>
        %swap3A_177 = arith.index_cast %scan3A_76 : i32 to index
        %swap3A_178 = arith.constant 112 : index
        %swap3A_179 = tpu.vector_load %arg17[%swap3A_177, %swap3A_178] {strides = array<i32>} : memref<128x128xf32, #tpu.memory_space<vmem>>, vector<1x16xf32>,
        %swap3A_180 = vector.shape_cast %swap3A_179 : vector<1x16xf32> to vector<16xf32>
        %swap3A_181 = vector.shape_cast %mul3A_176 : vector<16xf32> to vector<1x16xf32>
        tpu.vector_store %arg17[%swap3A_177, %swap3A_178], %swap3A_181 {strides = array<i32>} : memref<128x128xf32, #tpu.memory_space<vmem>>, vector<1x16xf32>,
        %scan3A_182 = arith.constant 0 : i32
        scf.yield %scan3A_182 : i32
      }
      %scan3A_74 = arith.constant 128 : i32
      "tpu.region"() ({
        %run_scoped3A = tpu.sem_alloc : memref<!tpu.dma_semaphore, #tpu.memory_space<semaphore_mem>>
        %dma_start3A_76 = arith.constant 0 : i32
        %dma_start3A_77 = arith.constant 0 : i32
        %dma_start3A_78 = tpu.memref_slice %arg9[%dma_start3A_76, %dma_start3A_77] : memref<10240x128xf32, #tpu.memory_space<vmem_shared>> -> memref<10240x128xf32, #tpu.memory_space<vmem_shared>>
        tpu.enqueue_indirect_dma source(%arg17 : memref<128x128xf32, #tpu.memory_space<vmem>>) target(%dma_start3A_78 : memref<10240x128xf32, #tpu.memory_space<vmem_shared>>) offsets(%arg12 : memref<128xi32, #tpu.memory_space<vmem>>) semaphore(%run_scoped3A : memref<!tpu.dma_semaphore, #tpu.memory_space<semaphore_mem>>) {add = true}
        %dma_wait3A_79 = arith.constant 0 : i32
        %dma_wait3A_80 = arith.constant 0 : i32
        %dma_wait3A_81 = tpu.memref_slice %arg9[%dma_wait3A_79, %dma_wait3A_80] : memref<10240x128xf32, #tpu.memory_space<vmem_shared>> -> memref<10240x128xf32, #tpu.memory_space<vmem_shared>>
        tpu.wait_indirect_dma semaphore(%run_scoped3A : memref<!tpu.dma_semaphore, #tpu.memory_space<semaphore_mem>>) src(%arg17 : memref<128x128xf32, #tpu.memory_space<vmem>>) dst(%dma_wait3A_81 : memref<10240x128xf32, #tpu.memory_space<vmem_shared>>)
        tpu.yield
      }) : () -> ()
      %scan3A_75 = arith.constant 0 : i32
      scf.yield %scan3A_75 : i32
    }
    %scan3A_36 = arith.constant 40 : i32
    %barrier3A_37 = arith.constant 0 : index
    tpu.barrier barrier_id(%barrier3A_37)
    "tpu.region"() ({
      %run_scoped3A = tpu.sem_alloc : memref<!tpu.dma_semaphore, #tpu.memory_space<semaphore_mem>>
      %dma_start3A = arith.constant 0 : i32
      %dma_start3A_38 = tpu.memref_slice %arg7[%arg0, %mul3A_2, %dma_start3A] : memref<2x10240x128xf32, #tpu.memory_space<hbm>> -> memref<1x640x128xf32, #tpu.memory_space<hbm>>
      %dma_start3A_39 = tpu.memref_squeeze %dma_start3A_38 : memref<1x640x128xf32, #tpu.memory_space<hbm>> -> memref<640x128xf32, #tpu.memory_space<hbm>>
      %dma_start3A_40 = arith.constant 0 : i32
      %dma_start3A_41 = tpu.memref_slice %arg9[%mul3A_2, %dma_start3A_40] : memref<10240x128xf32, #tpu.memory_space<vmem_shared>> -> memref<640x128xf32, #tpu.memory_space<vmem_shared>>
      tpu.enqueue_dma source(%dma_start3A_41 : memref<640x128xf32, #tpu.memory_space<vmem_shared>>) target(%dma_start3A_39 : memref<640x128xf32, #tpu.memory_space<hbm>>) target_semaphore(%run_scoped3A : memref<!tpu.dma_semaphore, #tpu.memory_space<semaphore_mem>>)
      %dma_wait3A = arith.constant 0 : i32
      %dma_wait3A_42 = tpu.memref_slice %arg7[%arg0, %mul3A_2, %dma_wait3A] : memref<2x10240x128xf32, #tpu.memory_space<hbm>> -> memref<1x640x128xf32, #tpu.memory_space<hbm>>
      %dma_wait3A_43 = tpu.memref_squeeze %dma_wait3A_42 : memref<1x640x128xf32, #tpu.memory_space<hbm>> -> memref<640x128xf32, #tpu.memory_space<hbm>>
      %dma_wait3A_44 = arith.constant 0 : i32
      %dma_wait3A_45 = tpu.memref_slice %arg9[%mul3A_2, %dma_wait3A_44] : memref<10240x128xf32, #tpu.memory_space<vmem_shared>> -> memref<640x128xf32, #tpu.memory_space<vmem_shared>>
      tpu.wait_dma2 semaphore(%run_scoped3A : memref<!tpu.dma_semaphore, #tpu.memory_space<semaphore_mem>>) src(%dma_wait3A_45 : memref<640x128xf32, #tpu.memory_space<vmem_shared>>) dst(%dma_wait3A_43 : memref<640x128xf32, #tpu.memory_space<hbm>>)
      tpu.yield
    }) : () -> ()
    "tpu.region"() ({
      %run_scoped3A = tpu.sem_alloc : memref<!tpu.dma_semaphore, #tpu.memory_space<semaphore_mem>>
      %dma_start3A = arith.constant 0 : i32
      %dma_start3A_38 = tpu.memref_slice %arg8[%arg0, %mul3A_2, %dma_start3A] : memref<2x10240x16xf32, #tpu.memory_space<hbm>> -> memref<1x640x16xf32, #tpu.memory_space<hbm>>
      %dma_start3A_39 = tpu.memref_squeeze %dma_start3A_38 : memref<1x640x16xf32, #tpu.memory_space<hbm>> -> memref<640x16xf32, #tpu.memory_space<hbm>>
      %dma_start3A_40 = arith.constant 0 : i32
      %dma_start3A_41 = tpu.memref_slice %arg10[%mul3A_2, %dma_start3A_40] : memref<10240x16xf32, #tpu.memory_space<vmem_shared>> -> memref<640x16xf32, #tpu.memory_space<vmem_shared>>
      tpu.enqueue_dma source(%dma_start3A_41 : memref<640x16xf32, #tpu.memory_space<vmem_shared>>) target(%dma_start3A_39 : memref<640x16xf32, #tpu.memory_space<hbm>>) target_semaphore(%run_scoped3A : memref<!tpu.dma_semaphore, #tpu.memory_space<semaphore_mem>>)
      %dma_wait3A = arith.constant 0 : i32
      %dma_wait3A_42 = tpu.memref_slice %arg8[%arg0, %mul3A_2, %dma_wait3A] : memref<2x10240x16xf32, #tpu.memory_space<hbm>> -> memref<1x640x16xf32, #tpu.memory_space<hbm>>
      %dma_wait3A_43 = tpu.memref_squeeze %dma_wait3A_42 : memref<1x640x16xf32, #tpu.memory_space<hbm>> -> memref<640x16xf32, #tpu.memory_space<hbm>>
      %dma_wait3A_44 = arith.constant 0 : i32
      %dma_wait3A_45 = tpu.memref_slice %arg10[%mul3A_2, %dma_wait3A_44] : memref<10240x16xf32, #tpu.memory_space<vmem_shared>> -> memref<640x16xf32, #tpu.memory_space<vmem_shared>>
      tpu.wait_dma2 semaphore(%run_scoped3A : memref<!tpu.dma_semaphore, #tpu.memory_space<semaphore_mem>>) src(%dma_wait3A_45 : memref<640x16xf32, #tpu.memory_space<vmem_shared>>) dst(%dma_wait3A_43 : memref<640x16xf32, #tpu.memory_space<hbm>>)
      tpu.yield
    }) : () -> ()
    return
  }
}

module attributes {stable_mosaic.version = 14 : i64} {
  func.func @_proj_body(%arg0: i32, %arg1: memref<2048x128xf32, #tpu.memory_space<vmem>>, %arg2: memref<2048x128xf32, #tpu.memory_space<vmem>>, %arg3: memref<256x32xf32, #tpu.memory_space<vmem>>, %arg4: memref<1x32xf32, #tpu.memory_space<vmem>>, %arg5: memref<256x256xf32, #tpu.memory_space<vmem>>, %arg6: memref<1x256xf32, #tpu.memory_space<vmem>>, %arg7: memref<2048x32xf32, #tpu.memory_space<vmem>>, %arg8: memref<2048x128xf32, #tpu.memory_space<vmem>>, %arg9: memref<2048x128xf32, #tpu.memory_space<vmem>>) attributes {dimension_semantics = [#tpu.dimension_semantics<arbitrary>], iteration_bounds = array<i64: 5>, scalar_prefetch = 0 : i64, scratch_operands = 0 : i64, tpu.core_type = #tpu.core_type<tc>, window_params = [{transform_indices = @transform_0, window_bounds = array<i64: 2048, 128>}, {transform_indices = @transform_1, window_bounds = array<i64: 2048, 128>}, {pipeline_mode = #tpu.pipeline_mode<synchronous>, transform_indices = @transform_2, window_bounds = array<i64: 256, 32>}, {pipeline_mode = #tpu.pipeline_mode<synchronous>, transform_indices = @transform_3, window_bounds = array<i64: 1, 32>}, {pipeline_mode = #tpu.pipeline_mode<synchronous>, transform_indices = @transform_4, window_bounds = array<i64: 256, 256>}, {pipeline_mode = #tpu.pipeline_mode<synchronous>, transform_indices = @transform_5, window_bounds = array<i64: 1, 256>}, {transform_indices = @transform_6, window_bounds = array<i64: 2048, 32>}, {transform_indices = @transform_7, window_bounds = array<i64: 2048, 128>}, {transform_indices = @transform_8, window_bounds = array<i64: 2048, 128>}]} {
    %get3A = arith.constant 0 : index
    %get3A_0 = arith.constant 0 : index
    %get3A_1 = vector.load %arg1[%get3A, %get3A_0] : memref<2048x128xf32, #tpu.memory_space<vmem>>, vector<2048x128xf32>
    %get3A_2 = arith.constant 0 : index
    %get3A_3 = arith.constant 0 : index
    %get3A_4 = vector.load %arg2[%get3A_2, %get3A_3] : memref<2048x128xf32, #tpu.memory_space<vmem>>, vector<2048x128xf32>
    %concatenate3A = tpu.concatenate %get3A_1, %get3A_4 in 1 : vector<2048x128xf32>, vector<2048x128xf32> -> vector<2048x256xf32>
    %get3A_5 = arith.constant 0 : index
    %get3A_6 = arith.constant 0 : index
    %get3A_7 = vector.load %arg3[%get3A_5, %get3A_6] : memref<256x32xf32, #tpu.memory_space<vmem>>, vector<256x32xf32>
    %dot_general3A = arith.constant dense<0.000000e+00> : vector<2048x32xf32>
    %dot_general3A_8 = tpu.matmul %concatenate3A, %get3A_7, %dot_general3A {dimension_numbers = #tpu.dot_dimension_numbers<[1], [0], [0], [1], [0, 0, 1, 1], [], []>, transpose_lhs_hint = false} : vector<2048x256xf32>, vector<256x32xf32>, vector<2048x32xf32> -> vector<2048x32xf32>
    %get3A_9 = arith.constant 0 : index
    %get3A_10 = arith.constant 0 : index
    %get3A_11 = vector.load %arg4[%get3A_9, %get3A_10] : memref<1x32xf32, #tpu.memory_space<vmem>>, vector<1x32xf32>
    %add3A = vector.broadcast %get3A_11 : vector<1x32xf32> to vector<2048x32xf32>
    %add3A_12 = arith.addf %dot_general3A_8, %add3A : vector<2048x32xf32>
    %swap3A = arith.constant 0 : index
    %swap3A_13 = arith.constant 0 : index
    %swap3A_14 = vector.load %arg7[%swap3A, %swap3A_13] : memref<2048x32xf32, #tpu.memory_space<vmem>>, vector<2048x32xf32>
    tpu.vector_store %arg7[%swap3A, %swap3A_13], %add3A_12 {strides = array<i32>} : memref<2048x32xf32, #tpu.memory_space<vmem>>, vector<2048x32xf32>,
    %get3A_15 = arith.constant 0 : index
    %get3A_16 = arith.constant 0 : index
    %get3A_17 = vector.load %arg5[%get3A_15, %get3A_16] : memref<256x256xf32, #tpu.memory_space<vmem>>, vector<256x256xf32>
    %dot_general3A_18 = arith.constant dense<0.000000e+00> : vector<2048x256xf32>
    %dot_general3A_19 = tpu.matmul %concatenate3A, %get3A_17, %dot_general3A_18 {dimension_numbers = #tpu.dot_dimension_numbers<[1], [0], [0], [1], [0, 0, 1, 1], [], []>, transpose_lhs_hint = false} : vector<2048x256xf32>, vector<256x256xf32>, vector<2048x256xf32> -> vector<2048x256xf32>
    %get3A_20 = arith.constant 0 : index
    %get3A_21 = arith.constant 0 : index
    %get3A_22 = vector.load %arg6[%get3A_20, %get3A_21] : memref<1x256xf32, #tpu.memory_space<vmem>>, vector<1x256xf32>
    %add3A_23 = vector.broadcast %get3A_22 : vector<1x256xf32> to vector<2048x256xf32>
    %add3A_24 = arith.addf %dot_general3A_19, %add3A_23 : vector<2048x256xf32>
    %slice3A = vector.extract_strided_slice %add3A_24 {offsets = [0, 0], sizes = [2048, 128], strides = [1, 1]} : vector<2048x256xf32> to vector<2048x128xf32>
    %swap3A_25 = arith.constant 0 : index
    %swap3A_26 = arith.constant 0 : index
    %swap3A_27 = vector.load %arg8[%swap3A_25, %swap3A_26] : memref<2048x128xf32, #tpu.memory_space<vmem>>, vector<2048x128xf32>
    tpu.vector_store %arg8[%swap3A_25, %swap3A_26], %slice3A {strides = array<i32>} : memref<2048x128xf32, #tpu.memory_space<vmem>>, vector<2048x128xf32>,
    %slice3A_28 = vector.extract_strided_slice %add3A_24 {offsets = [0, 128], sizes = [2048, 128], strides = [1, 1]} : vector<2048x256xf32> to vector<2048x128xf32>
    %swap3A_29 = arith.constant 0 : index
    %swap3A_30 = arith.constant 0 : index
    %swap3A_31 = vector.load %arg9[%swap3A_29, %swap3A_30] : memref<2048x128xf32, #tpu.memory_space<vmem>>, vector<2048x128xf32>
    tpu.vector_store %arg9[%swap3A_29, %swap3A_30], %slice3A_28 {strides = array<i32>} : memref<2048x128xf32, #tpu.memory_space<vmem>>, vector<2048x128xf32>,
    return
  }
  func.func @transform_0(%arg0: i32) -> (i32, i32) {
    %c0_i32 = arith.constant 0 : i32
    %c0_i32_0 = arith.constant 0 : i32
    return %arg0, %c0_i32 : i32, i32
  }
  func.func @transform_1(%arg0: i32) -> (i32, i32) {
    %c0_i32 = arith.constant 0 : i32
    %c0_i32_0 = arith.constant 0 : i32
    return %arg0, %c0_i32 : i32, i32
  }
  func.func @transform_2(%arg0: i32) -> (i32, i32) {
    %c0_i32 = arith.constant 0 : i32
    %c0_i32_0 = arith.constant 0 : i32
    %c0_i32_1 = arith.constant 0 : i32
    return %c0_i32, %c0_i32_0 : i32, i32
  }
  func.func @transform_3(%arg0: i32) -> (i32, i32) {
    %c0_i32 = arith.constant 0 : i32
    %c0_i32_0 = arith.constant 0 : i32
    %c0_i32_1 = arith.constant 0 : i32
    return %c0_i32, %c0_i32_0 : i32, i32
  }
  func.func @transform_4(%arg0: i32) -> (i32, i32) {
    %c0_i32 = arith.constant 0 : i32
    %c0_i32_0 = arith.constant 0 : i32
    %c0_i32_1 = arith.constant 0 : i32
    return %c0_i32, %c0_i32_0 : i32, i32
  }
  func.func @transform_5(%arg0: i32) -> (i32, i32) {
    %c0_i32 = arith.constant 0 : i32
    %c0_i32_0 = arith.constant 0 : i32
    %c0_i32_1 = arith.constant 0 : i32
    return %c0_i32, %c0_i32_0 : i32, i32
  }
  func.func @transform_6(%arg0: i32) -> (i32, i32) {
    %c0_i32 = arith.constant 0 : i32
    %c0_i32_0 = arith.constant 0 : i32
    return %arg0, %c0_i32 : i32, i32
  }
  func.func @transform_7(%arg0: i32) -> (i32, i32) {
    %c0_i32 = arith.constant 0 : i32
    %c0_i32_0 = arith.constant 0 : i32
    return %arg0, %c0_i32 : i32, i32
  }
  func.func @transform_8(%arg0: i32) -> (i32, i32) {
    %c0_i32 = arith.constant 0 : i32
    %c0_i32_0 = arith.constant 0 : i32
    return %arg0, %c0_i32 : i32, i32
  }
}

module attributes {stable_mosaic.version = 14 : i64} {
  func.func @_ae_body(%arg0: i32, %arg1: memref<8000x16xf32, #tpu.memory_space<vmem>>, %arg2: memref<16x16xf32, #tpu.memory_space<vmem>>, %arg3: memref<1x16xf32, #tpu.memory_space<vmem>>, %arg4: memref<8000x16xf32, #tpu.memory_space<vmem>>) attributes {dimension_semantics = [#tpu.dimension_semantics<arbitrary>], iteration_bounds = array<i64: 20>, scalar_prefetch = 0 : i64, scratch_operands = 0 : i64, tpu.core_type = #tpu.core_type<tc>, window_params = [{transform_indices = @transform_0, window_bounds = array<i64: 8000, 16>}, {pipeline_mode = #tpu.pipeline_mode<synchronous>, transform_indices = @transform_1, window_bounds = array<i64: 16, 16>}, {pipeline_mode = #tpu.pipeline_mode<synchronous>, transform_indices = @transform_2, window_bounds = array<i64: 1, 16>}, {transform_indices = @transform_3, window_bounds = array<i64: 8000, 16>}]} {
    %get3A = arith.constant 0 : index
    %get3A_0 = arith.constant 0 : index
    %get3A_1 = vector.load %arg1[%get3A, %get3A_0] : memref<8000x16xf32, #tpu.memory_space<vmem>>, vector<8000x16xf32>
    %get3A_2 = arith.constant 0 : index
    %get3A_3 = arith.constant 0 : index
    %get3A_4 = vector.load %arg2[%get3A_2, %get3A_3] : memref<16x16xf32, #tpu.memory_space<vmem>>, vector<16x16xf32>
    %dot_general3A = arith.constant dense<0.000000e+00> : vector<8000x16xf32>
    %dot_general3A_5 = tpu.matmul %get3A_1, %get3A_4, %dot_general3A {dimension_numbers = #tpu.dot_dimension_numbers<[1], [0], [0], [1], [0, 0, 1, 1], [], []>, transpose_lhs_hint = false} : vector<8000x16xf32>, vector<16x16xf32>, vector<8000x16xf32> -> vector<8000x16xf32>
    %get3A_6 = arith.constant 0 : index
    %get3A_7 = arith.constant 0 : index
    %get3A_8 = vector.load %arg3[%get3A_6, %get3A_7] : memref<1x16xf32, #tpu.memory_space<vmem>>, vector<1x16xf32>
    %add3A = vector.broadcast %get3A_8 : vector<1x16xf32> to vector<8000x16xf32>
    %add3A_9 = arith.addf %dot_general3A_5, %add3A : vector<8000x16xf32>
    %swap3A = arith.constant 0 : index
    %swap3A_10 = arith.constant 0 : index
    %swap3A_11 = vector.load %arg4[%swap3A, %swap3A_10] : memref<8000x16xf32, #tpu.memory_space<vmem>>, vector<8000x16xf32>
    tpu.vector_store %arg4[%swap3A, %swap3A_10], %add3A_9 {strides = array<i32>} : memref<8000x16xf32, #tpu.memory_space<vmem>>, vector<8000x16xf32>,
    return
  }
  func.func @transform_0(%arg0: i32) -> (i32, i32) {
    %c0_i32 = arith.constant 0 : i32
    %c0_i32_0 = arith.constant 0 : i32
    return %arg0, %c0_i32 : i32, i32
  }
  func.func @transform_1(%arg0: i32) -> (i32, i32) {
    %c0_i32 = arith.constant 0 : i32
    %c0_i32_0 = arith.constant 0 : i32
    %c0_i32_1 = arith.constant 0 : i32
    return %c0_i32, %c0_i32_0 : i32, i32
  }
  func.func @transform_2(%arg0: i32) -> (i32, i32) {
    %c0_i32 = arith.constant 0 : i32
    %c0_i32_0 = arith.constant 0 : i32
    %c0_i32_1 = arith.constant 0 : i32
    return %c0_i32, %c0_i32_0 : i32, i32
  }
  func.func @transform_3(%arg0: i32) -> (i32, i32) {
    %c0_i32 = arith.constant 0 : i32
    %c0_i32_0 = arith.constant 0 : i32
    return %arg0, %c0_i32 : i32, i32
  }
}

module attributes {stable_mosaic.version = 14 : i64} {
  func.func @_bridge_body(%arg0: i32, %arg1: memref<2048x128xf32, #tpu.memory_space<vmem>>, %arg2: memref<2x2048x128xf32, #tpu.memory_space<vmem>>, %arg3: memref<2x2048x16xf32, #tpu.memory_space<vmem>>, %arg4: memref<2048x128xf32, #tpu.memory_space<vmem>>, %arg5: memref<8x128xf32, #tpu.memory_space<vmem>>, %arg6: memref<256x32xf32, #tpu.memory_space<vmem>>, %arg7: memref<1x32xf32, #tpu.memory_space<vmem>>, %arg8: memref<256x256xf32, #tpu.memory_space<vmem>>, %arg9: memref<1x256xf32, #tpu.memory_space<vmem>>, %arg10: memref<2048x32xf32, #tpu.memory_space<vmem>>, %arg11: memref<2048x128xf32, #tpu.memory_space<vmem>>, %arg12: memref<2048x128xf32, #tpu.memory_space<vmem>>) attributes {dimension_semantics = [#tpu.dimension_semantics<arbitrary>], iteration_bounds = array<i64: 5>, scalar_prefetch = 0 : i64, scratch_operands = 0 : i64, tpu.core_type = #tpu.core_type<tc>, window_params = [{transform_indices = @transform_0, window_bounds = array<i64: 2048, 128>}, {transform_indices = @transform_1, window_bounds = array<i64: 2, 2048, 128>}, {transform_indices = @transform_2, window_bounds = array<i64: 2, 2048, 16>}, {transform_indices = @transform_3, window_bounds = array<i64: 2048, 128>}, {pipeline_mode = #tpu.pipeline_mode<synchronous>, transform_indices = @transform_4, window_bounds = array<i64: 8, 128>}, {pipeline_mode = #tpu.pipeline_mode<synchronous>, transform_indices = @transform_5, window_bounds = array<i64: 256, 32>}, {pipeline_mode = #tpu.pipeline_mode<synchronous>, transform_indices = @transform_6, window_bounds = array<i64: 1, 32>}, {pipeline_mode = #tpu.pipeline_mode<synchronous>, transform_indices = @transform_7, window_bounds = array<i64: 256, 256>}, {pipeline_mode = #tpu.pipeline_mode<synchronous>, transform_indices = @transform_8, window_bounds = array<i64: 1, 256>}, {transform_indices = @transform_9, window_bounds = array<i64: 2048, 32>}, {transform_indices = @transform_10, window_bounds = array<i64: 2048, 128>}, {transform_indices = @transform_11, window_bounds = array<i64: 2048, 128>}]} {
    %get3A = arith.constant 0 : index
    %get3A_0 = arith.constant 0 : index
    %get3A_1 = arith.constant 0 : index
    %get3A_2 = vector.load %arg3[%get3A, %get3A_0, %get3A_1] : memref<2x2048x16xf32, #tpu.memory_space<vmem>>, vector<1x2048x8xf32>
    %get3A_3 = vector.shape_cast %get3A_2 : vector<1x2048x8xf32> to vector<2048x8xf32>
    %get3A_4 = arith.constant 1 : index
    %get3A_5 = arith.constant 0 : index
    %get3A_6 = arith.constant 0 : index
    %get3A_7 = vector.load %arg3[%get3A_4, %get3A_5, %get3A_6] : memref<2x2048x16xf32, #tpu.memory_space<vmem>>, vector<1x2048x8xf32>
    %get3A_8 = vector.shape_cast %get3A_7 : vector<1x2048x8xf32> to vector<2048x8xf32>
    %add3A = arith.addf %get3A_3, %get3A_8 : vector<2048x8xf32>
    %get3A_9 = arith.constant 0 : index
    %get3A_10 = arith.constant 0 : index
    %get3A_11 = vector.load %arg5[%get3A_9, %get3A_10] : memref<8x128xf32, #tpu.memory_space<vmem>>, vector<8x128xf32>
    %dot_general3A = arith.constant dense<0.000000e+00> : vector<2048x128xf32>
    %dot_general3A_12 = tpu.matmul %add3A, %get3A_11, %dot_general3A {dimension_numbers = #tpu.dot_dimension_numbers<[1], [0], [0], [1], [0, 0, 1, 1], [], []>, transpose_lhs_hint = false} : vector<2048x8xf32>, vector<8x128xf32>, vector<2048x128xf32> -> vector<2048x128xf32>
    %get3A_13 = arith.constant 0 : index
    %get3A_14 = arith.constant 0 : index
    %get3A_15 = arith.constant 0 : index
    %get3A_16 = vector.load %arg2[%get3A_13, %get3A_14, %get3A_15] : memref<2x2048x128xf32, #tpu.memory_space<vmem>>, vector<1x2048x128xf32>
    %get3A_17 = vector.shape_cast %get3A_16 : vector<1x2048x128xf32> to vector<2048x128xf32>
    %get3A_18 = arith.constant 1 : index
    %get3A_19 = arith.constant 0 : index
    %get3A_20 = arith.constant 0 : index
    %get3A_21 = vector.load %arg2[%get3A_18, %get3A_19, %get3A_20] : memref<2x2048x128xf32, #tpu.memory_space<vmem>>, vector<1x2048x128xf32>
    %get3A_22 = vector.shape_cast %get3A_21 : vector<1x2048x128xf32> to vector<2048x128xf32>
    %add3A_23 = arith.addf %get3A_17, %get3A_22 : vector<2048x128xf32>
    %div3A = arith.divf %add3A_23, %dot_general3A_12 : vector<2048x128xf32>
    %get3A_24 = arith.constant 0 : index
    %get3A_25 = arith.constant 0 : index
    %get3A_26 = vector.load %arg4[%get3A_24, %get3A_25] : memref<2048x128xf32, #tpu.memory_space<vmem>>, vector<2048x128xf32>
    %add3A_27 = arith.addf %div3A, %get3A_26 : vector<2048x128xf32>
    %max3A = arith.constant 0.000000e+00 : f32
    %max3A_28 = vector.broadcast %max3A : f32 to vector<2048x128xf32>
    %max3A_29 = arith.maximumf %add3A_27, %max3A_28 : vector<2048x128xf32>
    %get3A_30 = arith.constant 0 : index
    %get3A_31 = arith.constant 0 : index
    %get3A_32 = vector.load %arg1[%get3A_30, %get3A_31] : memref<2048x128xf32, #tpu.memory_space<vmem>>, vector<2048x128xf32>
    %concatenate3A = tpu.concatenate %get3A_32, %max3A_29 in 1 : vector<2048x128xf32>, vector<2048x128xf32> -> vector<2048x256xf32>
    %get3A_33 = arith.constant 0 : index
    %get3A_34 = arith.constant 0 : index
    %get3A_35 = vector.load %arg6[%get3A_33, %get3A_34] : memref<256x32xf32, #tpu.memory_space<vmem>>, vector<256x32xf32>
    %dot_general3A_36 = arith.constant dense<0.000000e+00> : vector<2048x32xf32>
    %dot_general3A_37 = tpu.matmul %concatenate3A, %get3A_35, %dot_general3A_36 {dimension_numbers = #tpu.dot_dimension_numbers<[1], [0], [0], [1], [0, 0, 1, 1], [], []>, transpose_lhs_hint = false} : vector<2048x256xf32>, vector<256x32xf32>, vector<2048x32xf32> -> vector<2048x32xf32>
    %get3A_38 = arith.constant 0 : index
    %get3A_39 = arith.constant 0 : index
    %get3A_40 = vector.load %arg7[%get3A_38, %get3A_39] : memref<1x32xf32, #tpu.memory_space<vmem>>, vector<1x32xf32>
    %add3A_41 = vector.broadcast %get3A_40 : vector<1x32xf32> to vector<2048x32xf32>
    %add3A_42 = arith.addf %dot_general3A_37, %add3A_41 : vector<2048x32xf32>
    %swap3A = arith.constant 0 : index
    %swap3A_43 = arith.constant 0 : index
    %swap3A_44 = vector.load %arg10[%swap3A, %swap3A_43] : memref<2048x32xf32, #tpu.memory_space<vmem>>, vector<2048x32xf32>
    tpu.vector_store %arg10[%swap3A, %swap3A_43], %add3A_42 {strides = array<i32>} : memref<2048x32xf32, #tpu.memory_space<vmem>>, vector<2048x32xf32>,
    %get3A_45 = arith.constant 0 : index
    %get3A_46 = arith.constant 0 : index
    %get3A_47 = vector.load %arg8[%get3A_45, %get3A_46] : memref<256x256xf32, #tpu.memory_space<vmem>>, vector<256x256xf32>
    %dot_general3A_48 = arith.constant dense<0.000000e+00> : vector<2048x256xf32>
    %dot_general3A_49 = tpu.matmul %concatenate3A, %get3A_47, %dot_general3A_48 {dimension_numbers = #tpu.dot_dimension_numbers<[1], [0], [0], [1], [0, 0, 1, 1], [], []>, transpose_lhs_hint = false} : vector<2048x256xf32>, vector<256x256xf32>, vector<2048x256xf32> -> vector<2048x256xf32>
    %get3A_50 = arith.constant 0 : index
    %get3A_51 = arith.constant 0 : index
    %get3A_52 = vector.load %arg9[%get3A_50, %get3A_51] : memref<1x256xf32, #tpu.memory_space<vmem>>, vector<1x256xf32>
    %add3A_53 = vector.broadcast %get3A_52 : vector<1x256xf32> to vector<2048x256xf32>
    %add3A_54 = arith.addf %dot_general3A_49, %add3A_53 : vector<2048x256xf32>
    %slice3A = vector.extract_strided_slice %add3A_54 {offsets = [0, 0], sizes = [2048, 128], strides = [1, 1]} : vector<2048x256xf32> to vector<2048x128xf32>
    %swap3A_55 = arith.constant 0 : index
    %swap3A_56 = arith.constant 0 : index
    %swap3A_57 = vector.load %arg11[%swap3A_55, %swap3A_56] : memref<2048x128xf32, #tpu.memory_space<vmem>>, vector<2048x128xf32>
    tpu.vector_store %arg11[%swap3A_55, %swap3A_56], %slice3A {strides = array<i32>} : memref<2048x128xf32, #tpu.memory_space<vmem>>, vector<2048x128xf32>,
    %slice3A_58 = vector.extract_strided_slice %add3A_54 {offsets = [0, 128], sizes = [2048, 128], strides = [1, 1]} : vector<2048x256xf32> to vector<2048x128xf32>
    %swap3A_59 = arith.constant 0 : index
    %swap3A_60 = arith.constant 0 : index
    %swap3A_61 = vector.load %arg12[%swap3A_59, %swap3A_60] : memref<2048x128xf32, #tpu.memory_space<vmem>>, vector<2048x128xf32>
    tpu.vector_store %arg12[%swap3A_59, %swap3A_60], %slice3A_58 {strides = array<i32>} : memref<2048x128xf32, #tpu.memory_space<vmem>>, vector<2048x128xf32>,
    return
  }
  func.func @transform_0(%arg0: i32) -> (i32, i32) {
    %c0_i32 = arith.constant 0 : i32
    %c0_i32_0 = arith.constant 0 : i32
    return %arg0, %c0_i32 : i32, i32
  }
  func.func @transform_1(%arg0: i32) -> (i32, i32, i32) {
    %c0_i32 = arith.constant 0 : i32
    %c0_i32_0 = arith.constant 0 : i32
    %c0_i32_1 = arith.constant 0 : i32
    return %c0_i32, %arg0, %c0_i32_0 : i32, i32, i32
  }
  func.func @transform_2(%arg0: i32) -> (i32, i32, i32) {
    %c0_i32 = arith.constant 0 : i32
    %c0_i32_0 = arith.constant 0 : i32
    %c0_i32_1 = arith.constant 0 : i32
    return %c0_i32, %arg0, %c0_i32_0 : i32, i32, i32
  }
  func.func @transform_3(%arg0: i32) -> (i32, i32) {
    %c0_i32 = arith.constant 0 : i32
    %c0_i32_0 = arith.constant 0 : i32
    return %arg0, %c0_i32 : i32, i32
  }
  func.func @transform_4(%arg0: i32) -> (i32, i32) {
    %c0_i32 = arith.constant 0 : i32
    %c0_i32_0 = arith.constant 0 : i32
    %c0_i32_1 = arith.constant 0 : i32
    return %c0_i32, %c0_i32_0 : i32, i32
  }
  func.func @transform_5(%arg0: i32) -> (i32, i32) {
    %c0_i32 = arith.constant 0 : i32
    %c0_i32_0 = arith.constant 0 : i32
    %c0_i32_1 = arith.constant 0 : i32
    return %c0_i32, %c0_i32_0 : i32, i32
  }
  func.func @transform_6(%arg0: i32) -> (i32, i32) {
    %c0_i32 = arith.constant 0 : i32
    %c0_i32_0 = arith.constant 0 : i32
    %c0_i32_1 = arith.constant 0 : i32
    return %c0_i32, %c0_i32_0 : i32, i32
  }
  func.func @transform_7(%arg0: i32) -> (i32, i32) {
    %c0_i32 = arith.constant 0 : i32
    %c0_i32_0 = arith.constant 0 : i32
    %c0_i32_1 = arith.constant 0 : i32
    return %c0_i32, %c0_i32_0 : i32, i32
  }
  func.func @transform_8(%arg0: i32) -> (i32, i32) {
    %c0_i32 = arith.constant 0 : i32
    %c0_i32_0 = arith.constant 0 : i32
    %c0_i32_1 = arith.constant 0 : i32
    return %c0_i32, %c0_i32_0 : i32, i32
  }
  func.func @transform_9(%arg0: i32) -> (i32, i32) {
    %c0_i32 = arith.constant 0 : i32
    %c0_i32_0 = arith.constant 0 : i32
    return %arg0, %c0_i32 : i32, i32
  }
  func.func @transform_10(%arg0: i32) -> (i32, i32) {
    %c0_i32 = arith.constant 0 : i32
    %c0_i32_0 = arith.constant 0 : i32
    return %arg0, %c0_i32 : i32, i32
  }
  func.func @transform_11(%arg0: i32) -> (i32, i32) {
    %c0_i32 = arith.constant 0 : i32
    %c0_i32_0 = arith.constant 0 : i32
    return %arg0, %c0_i32 : i32, i32
  }
}

module attributes {stable_mosaic.version = 14 : i64} {
  func.func @_final_body(%arg0: i32, %arg1: memref<2x2048x128xf32, #tpu.memory_space<vmem>>, %arg2: memref<2x2048x16xf32, #tpu.memory_space<vmem>>, %arg3: memref<2048x128xf32, #tpu.memory_space<vmem>>, %arg4: memref<8x128xf32, #tpu.memory_space<vmem>>, %arg5: memref<2048x128xf32, #tpu.memory_space<vmem>>) attributes {dimension_semantics = [#tpu.dimension_semantics<arbitrary>], iteration_bounds = array<i64: 5>, scalar_prefetch = 0 : i64, scratch_operands = 0 : i64, tpu.core_type = #tpu.core_type<tc>, window_params = [{transform_indices = @transform_0, window_bounds = array<i64: 2, 2048, 128>}, {transform_indices = @transform_1, window_bounds = array<i64: 2, 2048, 16>}, {transform_indices = @transform_2, window_bounds = array<i64: 2048, 128>}, {pipeline_mode = #tpu.pipeline_mode<synchronous>, transform_indices = @transform_3, window_bounds = array<i64: 8, 128>}, {transform_indices = @transform_4, window_bounds = array<i64: 2048, 128>}]} {
    %get3A = arith.constant 0 : index
    %get3A_0 = arith.constant 0 : index
    %get3A_1 = arith.constant 0 : index
    %get3A_2 = vector.load %arg2[%get3A, %get3A_0, %get3A_1] : memref<2x2048x16xf32, #tpu.memory_space<vmem>>, vector<1x2048x8xf32>
    %get3A_3 = vector.shape_cast %get3A_2 : vector<1x2048x8xf32> to vector<2048x8xf32>
    %get3A_4 = arith.constant 1 : index
    %get3A_5 = arith.constant 0 : index
    %get3A_6 = arith.constant 0 : index
    %get3A_7 = vector.load %arg2[%get3A_4, %get3A_5, %get3A_6] : memref<2x2048x16xf32, #tpu.memory_space<vmem>>, vector<1x2048x8xf32>
    %get3A_8 = vector.shape_cast %get3A_7 : vector<1x2048x8xf32> to vector<2048x8xf32>
    %add3A = arith.addf %get3A_3, %get3A_8 : vector<2048x8xf32>
    %get3A_9 = arith.constant 0 : index
    %get3A_10 = arith.constant 0 : index
    %get3A_11 = vector.load %arg4[%get3A_9, %get3A_10] : memref<8x128xf32, #tpu.memory_space<vmem>>, vector<8x128xf32>
    %dot_general3A = arith.constant dense<0.000000e+00> : vector<2048x128xf32>
    %dot_general3A_12 = tpu.matmul %add3A, %get3A_11, %dot_general3A {dimension_numbers = #tpu.dot_dimension_numbers<[1], [0], [0], [1], [0, 0, 1, 1], [], []>, transpose_lhs_hint = false} : vector<2048x8xf32>, vector<8x128xf32>, vector<2048x128xf32> -> vector<2048x128xf32>
    %get3A_13 = arith.constant 0 : index
    %get3A_14 = arith.constant 0 : index
    %get3A_15 = arith.constant 0 : index
    %get3A_16 = vector.load %arg1[%get3A_13, %get3A_14, %get3A_15] : memref<2x2048x128xf32, #tpu.memory_space<vmem>>, vector<1x2048x128xf32>
    %get3A_17 = vector.shape_cast %get3A_16 : vector<1x2048x128xf32> to vector<2048x128xf32>
    %get3A_18 = arith.constant 1 : index
    %get3A_19 = arith.constant 0 : index
    %get3A_20 = arith.constant 0 : index
    %get3A_21 = vector.load %arg1[%get3A_18, %get3A_19, %get3A_20] : memref<2x2048x128xf32, #tpu.memory_space<vmem>>, vector<1x2048x128xf32>
    %get3A_22 = vector.shape_cast %get3A_21 : vector<1x2048x128xf32> to vector<2048x128xf32>
    %add3A_23 = arith.addf %get3A_17, %get3A_22 : vector<2048x128xf32>
    %div3A = arith.divf %add3A_23, %dot_general3A_12 : vector<2048x128xf32>
    %get3A_24 = arith.constant 0 : index
    %get3A_25 = arith.constant 0 : index
    %get3A_26 = vector.load %arg3[%get3A_24, %get3A_25] : memref<2048x128xf32, #tpu.memory_space<vmem>>, vector<2048x128xf32>
    %add3A_27 = arith.addf %div3A, %get3A_26 : vector<2048x128xf32>
    %max3A = arith.constant 0.000000e+00 : f32
    %max3A_28 = vector.broadcast %max3A : f32 to vector<2048x128xf32>
    %max3A_29 = arith.maximumf %add3A_27, %max3A_28 : vector<2048x128xf32>
    %swap3A = arith.constant 0 : index
    %swap3A_30 = arith.constant 0 : index
    %swap3A_31 = vector.load %arg5[%swap3A, %swap3A_30] : memref<2048x128xf32, #tpu.memory_space<vmem>>, vector<2048x128xf32>
    tpu.vector_store %arg5[%swap3A, %swap3A_30], %max3A_29 {strides = array<i32>} : memref<2048x128xf32, #tpu.memory_space<vmem>>, vector<2048x128xf32>,
    return
  }
  func.func @transform_0(%arg0: i32) -> (i32, i32, i32) {
    %c0_i32 = arith.constant 0 : i32
    %c0_i32_0 = arith.constant 0 : i32
    %c0_i32_1 = arith.constant 0 : i32
    return %c0_i32, %arg0, %c0_i32_0 : i32, i32, i32
  }
  func.func @transform_1(%arg0: i32) -> (i32, i32, i32) {
    %c0_i32 = arith.constant 0 : i32
    %c0_i32_0 = arith.constant 0 : i32
    %c0_i32_1 = arith.constant 0 : i32
    return %c0_i32, %arg0, %c0_i32_0 : i32, i32, i32
  }
  func.func @transform_2(%arg0: i32) -> (i32, i32) {
    %c0_i32 = arith.constant 0 : i32
    %c0_i32_0 = arith.constant 0 : i32
    return %arg0, %c0_i32 : i32, i32
  }
  func.func @transform_3(%arg0: i32) -> (i32, i32) {
    %c0_i32 = arith.constant 0 : i32
    %c0_i32_0 = arith.constant 0 : i32
    %c0_i32_1 = arith.constant 0 : i32
    return %c0_i32, %c0_i32_0 : i32, i32
  }
  func.func @transform_4(%arg0: i32) -> (i32, i32) {
    %c0_i32 = arith.constant 0 : i32
    %c0_i32_0 = arith.constant 0 : i32
    return %arg0, %c0_i32 : i32, i32
  }
}

</mosaic_0001>

<sc_bundles>
// kernel: kernel.11.cloned.1.call-start
scs
__scs_entry_jumppad:
0x0: {  	(pc) =	sbr.rel $0x88, $3  }
0x1: {  	(tag) =	ssettag $0x0;
	lr =	simm.s32 $0x1  }
0x2: {  	[smem:$0x3F92] =	sst lr;
	_ =	strace $0xD0000000  }
0x3: {  	_ = 	snop  }
0x4: {  	_ = 	snop  }
0x5: {  	_ = 	snop  }
0x6: {  	_ = 	snop  }
0x7: {  	_ = 	snop  }
__scs_overlays_trampoline_lowered:
0x8: {  	[smem:$0x3FA1] =	sst s0  }
0x9: {  	[smem:$0x3FA2] =	sst s1  }
0xa: {  	[smem:$0x3FA3] =	sst s2  }
0xb: {  	[smem:$0x3FA4] =	sst s3  }
0xc: {  	[smem:$0x3FA5] =	sst s4  }
0xd: {  	[smem:$0x3FA6] =	sst s5  }
0xe: {  	[smem:$0x3FA7] =	sst s6  }
0xf: {  	[smem:$0x3FA8] =	sst s7  }
0x10: {  	[smem:$0x3FA9] =	sst s8  }
0x11: {  	[smem:$0x3FAA] =	sst s9;
	s0 =	simm.s32 @!p0 $0x0  }
0x12: {  	s1 =	sld [smem:$0x3F90];
	s0 =	simm.s32 @p0 $0x1  }
0x13: {  	[smem:$0x3FAB] =	sst s0;
	s0 =	simm.s32 @!p1 $0x0  }
0x14: {  	s2 =	sld [smem:$0x3F8F];
	s0 =	simm.s32 @p1 $0x1  }
0x15: {  	[smem:$0x3FAC] =	sst s0;
	s0 =	simm.s32 @!p2 $0x0  }
0x16: {  	s3 =	sld [smem:$0x3FDB];
	s0 =	simm.s32 @p2 $0x1  }
0x17: {  	s4 =	simm.s32 $0x1BF5;
	[smem:$0x3FAE] =	sst s0  }
0x18: {  	s0 =	sld [smem:$0x3F91];
	_ =	swait.ge [sflag:s4], $0x0  }
0x19: {  	s7 =	sld [smem:$0x3F92]  }
0x1a: {  	s8 =	sadd.s32 $0xFFFFE003, lr  }
0x1b: {  	s9 =	sadd.s32 $0xFFFFFEF7, lr;
	s5 =	simm.s32 $0xFFFFFFFF;
	p2 =	slt.u32 s8, $0xFFFFF086  }
0x1c: {  	p1 =	slt.u32 s9, $0xF7A;
	s5 =	simm.s32 @!p2 $0x0  }
0x1d: {  	s5 =	simm.s32 @p1 $0x1;
	p0 =	seq.s32 s7, s2  }
0x1e: {  	s7 =	smul.u32 @!p0 $0xF7A, s2;
	p2 =	seq.s32 @!p0 s5, $0x0  }
0x1f: {  	s9 =	smul.u32 $0xF7A, s1;
	s8 =	simm.s32 @!p0 $0x1BF5;
	p2 =	por !p2, p0  }
0x20: {  	[sflag:s8] =	ssyncset.s32 @!p0 $0xFFFFF086;
	s6 =	sadd.s32 @!p0 s3, s7;
	s7 =	simm.s32 @!p0 $0x108  }
0x21: {  	s3 =	sadd.s32 s3, s9;
	s6 =	sadd.s32 @!p0 $0x88, s6;
	s7 =	simm.s32 @p2 $0x1082  }
0x22: {  	[simem:s7], [sflag:s8] =	dma.local @!p0 [hbm:s6], $0xF7A  }
0x23: {  	s9 =	sor.u32 $0xD0000000, s2;
	s6 =	simm.s32 $0x108;
	_ =	swait.ge @!p0 [sflag:s8], $0x0  }
0x24: {  	s3 =	sadd.s32 $0x88, s3;
	s6 =	simm.s32 @!p1 $0x1082;
	[sflag:s4] =	ssyncset.s32 $0xFFFFF086  }
0x25: {  	[simem:s6], [sflag:s4] =	dma.local [hbm:s3], $0xF7A  }
0x26: {  	[smem:$0x3F92] =	sst s1;
	(tag) =	ssettag s2;
	_ =	strace s9  }
0x27: {  	s1 =	sld [smem:$0x3FA2]  }
0x28: {  	s2 =	sld [smem:$0x3FA3]  }
0x29: {  	s4 =	sld [smem:$0x3FA5]  }
0x2a: {  	p0 =	seq.s32 s5, $0x0;
	s5 =	sld [smem:$0x3FA6]  }
0x2b: {  	s6 =	sld [smem:$0x3FA7]  }
0x2c: {  	s7 =	sld [smem:$0x3FA8]  }
0x2d: {  	s3 =	simm.s32 $0x108;
	s8 =	sld [smem:$0x3FA9]  }
0x2e: {  	s3 =	simm.s32 @!p0 $0x1082;
	s9 =	sld [smem:$0x3FAA]  }
0x2f: {  	lr =	sadd.s32 s0, s3;
	s0 =	sld [smem:$0x3FA1]  }
0x30: {  	s3 =	sld [smem:$0x3FA4]  }
0x31: {  	[smem:$0x3FAD] =	sst s10  }
0x32: {  	s10 =	sld [smem:$0x3FAB];
	_ =	sdelay $0x3  }
0x33: {  	p0 =	seq.s32 s10, $0x1;
	s10 =	sld [smem:$0x3FAD];
	_ =	sdelay $0x3  }
0x34: {  	[smem:$0x3FAD] =	sst s10  }
0x35: {  	s10 =	sld [smem:$0x3FAC];
	_ =	sdelay $0x3  }
0x36: {  	p1 =	seq.s32 s10, $0x1;
	s10 =	sld [smem:$0x3FAD];
	_ =	sdelay $0x3  }
0x37: {  	[smem:$0x3FAD] =	sst s10  }
0x38: {  	s10 =	sld [smem:$0x3FAE]  }
0x39: {  	_ = 	snop;
	(pc) =	sbr.ind lr, $3  }
0x3a: {  	_ = 	snop  }
0x3b: {  	_ = 	snop  }
0x3c: {  	p2 =	seq.s32 s10, $0x1;
	s10 =	sld [smem:$0x3FAD]  }
0x3d: {  	_ =	shalt  }
0x3e: {  	_ =	shalt  }
0x3f: {  	_ =	shalt  }
0x40: {  	_ =	shalt  }
0x41: {  	_ =	shalt  }
0x42: {  	_ =	shalt  }
0x43: {  	_ =	shalt  }
0x44: {  	_ =	shalt  }
0x45: {  	_ =	shalt  }
0x46: {  	_ =	shalt  }
0x47: {  	_ =	shalt  }
0x48: {  	_ =	shalt  }
0x49: {  	_ =	shalt  }
0x4a: {  	_ =	shalt  }
0x4b: {  	_ =	shalt  }
0x4c: {  	_ =	shalt  }
0x4d: {  	_ =	shalt  }
0x4e: {  	_ =	shalt  }
0x4f: {  	_ =	shalt  }
0x50: {  	_ =	shalt  }
0x51: {  	_ =	shalt  }
0x52: {  	_ =	shalt  }
0x53: {  	_ =	shalt  }
0x54: {  	_ =	shalt  }
0x55: {  	_ =	shalt  }
0x56: {  	_ =	shalt  }
0x57: {  	_ =	shalt  }
0x58: {  	_ =	shalt  }
0x59: {  	_ =	shalt  }
0x5a: {  	_ =	shalt  }
0x5b: {  	_ =	shalt  }
0x5c: {  	_ =	shalt  }
0x5d: {  	_ =	shalt  }
0x5e: {  	_ =	shalt  }
0x5f: {  	_ =	shalt  }
0x60: {  	_ =	shalt  }
0x61: {  	_ =	shalt  }
0x62: {  	_ =	shalt  }
0x63: {  	_ =	shalt  }
0x64: {  	_ =	shalt  }
0x65: {  	_ =	shalt  }
0x66: {  	_ =	shalt  }
0x67: {  	_ =	shalt  }
0x68: {  	_ =	shalt  }
0x69: {  	_ =	shalt  }
0x6a: {  	_ =	shalt  }
0x6b: {  	_ =	shalt  }
0x6c: {  	_ =	shalt  }
0x6d: {  	_ =	shalt  }
0x6e: {  	_ =	shalt  }
0x6f: {  	_ =	shalt  }
0x70: {  	_ =	shalt  }
0x71: {  	_ =	shalt  }
0x72: {  	_ =	shalt  }
0x73: {  	_ =	shalt  }
0x74: {  	_ =	shalt  }
0x75: {  	_ =	shalt  }
0x76: {  	_ =	shalt  }
0x77: {  	_ =	shalt  }
0x78: {  	_ =	shalt  }
0x79: {  	_ =	shalt  }
0x7a: {  	_ =	shalt  }
0x7b: {  	_ =	shalt  }
0x7c: {  	_ =	shalt  }
0x7d: {  	_ =	shalt  }
0x7e: {  	_ =	shalt  }
0x7f: {  	_ =	shalt  }
0x80: {  	_ =	shalt  }
0x81: {  	_ =	shalt  }
0x82: {  	_ =	shalt  }
0x83: {  	_ =	shalt  }
0x84: {  	_ =	shalt  }
0x85: {  	_ =	shalt  }
0x86: {  	_ =	shalt  }
0x87: {  	_ =	shalt  }
.Lfunc_end0:
.L_simem_size_0:
called_computation.1_lowered:
.L_overlay_start_0:
0x88: {  	s2 =	sld [smem:$0x3FD9]  }
0x89: {  	s3 =	sld [smem:$0x3FFE];
	_ =	sdelay $0x1  }
0x8a: {  	s1 =	srdreg.scid  }
0x8b: {  	s0 =	sand.u32 $0x1, s1  }
0x8c: {  	s17 =	sshll.u32 s0, $0xA;
	s2 =	sadd.s32 s3, s2  }
0x8d: {  	s2 =	sadd.s32 s2, s17  }
0x8e: {  	[smem:$0x3FB9] =	sst s2  }
0x8f: {  	_ = 	snop  }
0x90: {  	s2 =	sld [smem:$0x3FD0];
	(tm) =	ssettm $0x1  }
0x91: {  	s18 =	sld [smem:$0x3FFB];
	_ =	sdelay $0x3  }
0x92: {  	_ =	strace s18  }
0x93: {  	s3 =	sld [smem:$0x3FFC];
	_ =	sdelay $0x3  }
0x94: {  	_ =	strace s3  }
0x95: {  	s3 =	sld [smem:$0x3FFD];
	_ =	sdelay $0x3  }
0x96: {  	_ =	strace s3  }
0x97: {  	_ =	strace $0x8FFFFFFF  }
0x98: {  	s19 =	sld [smem:$0x3FDB];
	_ =	sdelay $0x1  }
0x99: {  	s4 =	simm.s32 $_scs_section_size  }
0x9a: {  	s5 =	simm.s32 $_size__tile_overlayer_lowered;
	s6 =	simm.s32 $_tile_overlayer_lowered  }
0x9b: {  	s22 =	simm.s32 $0x1BFF;
	s21 =	sshll.u32 s6, $0x1;
	s3 =	sadd.s32 s4, s19  }
0x9c: {  	s7 =	simm.s32 $0x0;
	s20 =	sshll.u32 s5, $0x1;
	s5 =	sadd.s32 s21, s3  }
0x9d: {  	[timem:s7], [sflag:s22] =	dma.local [hbm:s5], s20  }
0x9e: {  	_ =	swait.ge [sflag:s22], s20  }
0x9f: {  	s4 =	ssub.s32 $0x0, s20;
	[sflag:s22] =	ssyncset.done $0x0  }
0xa0: {  	[sflag:s22] =	ssyncadd.s32 s4;
	_ =	sdelay $0x1  }
0xa1: {  	s23 =	simm.s32 $0x1B8B  }
0xa2: {  	_ =	swait.ge [sflag:s23], $0x1  }
0xa3: {  	[sflag:s23] =	ssyncset.done $0x0  }
0xa4: {  	s25 =	simm.s32 $0x1B8E;
	s24 =	sld [smem:$0x3FFE];
	[sflag:s23] =	ssyncadd.s32 $0xFFFFFFFF  }
0xa5: {  	s26 =	simm.s32 $execute0_lowered;
	[smem:$0x3FD2] =	sst s25  }
0xa6: {  	s5 =	sshll.u32 s26, $0x1;
	_ =	strace $0x80000049;
	[dreg:$0x1] =	wrdreg $0xFFFFFFFF  }
0xa7: {  	s28 =	simm.s32 $_size_execute0_lowered;
	s3 =	sadd.s32 s3, s5;
	[dreg:$0x0] =	wrdreg $0x0  }
0xa8: {  	s5 =	sshll.u32 s28, $0x1;
	[dreg:$0x2] =	wrdreg s3  }
0xa9: {  	[dreg:$0x3] =	wrdreg s5  }
0xaa: {  	[dreg:$0x4] =	wrdreg $0xC0  }
0xab: {  	_ =	task [dreg:s7], $0x5FFFF  }
0xac: {  	[dreg:$0x1] =	wrdreg $0xFFFFFFFF  }
0xad: {  	[dreg:$0x0] =	wrdreg $0x60  }
0xae: {  	[dreg:$0x2] =	wrdreg s2  }
0xaf: {  	[dreg:$0x3] =	wrdreg s24  }
0xb0: {  	[dreg:$0x4] =	wrdreg $0x0  }
0xb1: {  	[dreg:$0x5] =	wrdreg $0x140000  }
0xb2: {  	[dreg:$0x6] =	wrdreg $0x9  }
0xb3: {  	_ =	task.clear_ibuf [dreg:s7], $0x7FFFF;
	_ =	strace $0x90000049  }
0xb4: {  	s29 =	simm.s32 $0x9;
	_ =	strace $0x8000004B  }
0xb5: {  	_ =	swait.ge [sflag:s29], $0x1  }
0xb6: {  	[sflag:s29] =	ssyncadd.s32 $0xFFFFFFFF  }
0xb7: {  	_ =	strace $0x9000004B  }
0xb8: {  	_ =	sfence  }
0xb9: {  	s30 =	sld [smem:$0x0];
	_ =	sdelay $0x2  }
0xba: {  	s31 =	sshll.u32 s1, $0xD;
	s1 =	sshrl.u32 s1, $0x2  }
0xbb: {  	s3 =	sand.u32 $0x4000, s31;
	s1 =	sadd.s32 s1, s30  }
0xbc: {  	s0 =	sor.u32 s3, s0;
	s1 =	sshll.u32 s1, $0x11  }
0xbd: {  	s0 =	sor.u32 s1, s0  }
0xbe: {  	s0 =	sadd.s32 $0x8F2B, s0  }
0xbf: {  	[sflag:s0] =	ssyncadd.remote.s32 $0x1  }
0xc0: {  	_ =	sfence.sel $0xFFFF  }
0xc1: {  	[dreg:$0x0] =	wrdreg $0xFFFFFFFF;
	(pc) =	sbr.abs _section_cstart, $3  }
0xc2: {  	[dreg:$0x1] =	wrdreg $0xFFFFFFFF  }
0xc3: {  	_ =	task.clear_ibuf [dreg:s7], $0x2FFFF;
	_ =	strace $0x9FFFFFFF  }
0xc4: {  	(tm) =	ssettm $0x7FFFFFFF  }
0xc5: {  	_ =	shalt  }
tec
execute0_lowered:
.L_overlay_start_1:
0x0: {  	(tag) =	ssettag $0x1  }
0x1: {  	s1 =	rddreg [dreg:$0x0]  }
0x2: {  	s0 =	rddreg [dreg:$0x1]  }
0x3: {  	s3 =	rddreg [dreg:$0x2]  }
0x4: {  	s4 =	rddreg [dreg:$0x3]  }
0x5: {  	s2 =	srdreg.scid;
	s17 =	stileid.u32  }
0x6: {  	s5 =	simm.s32 $0x0;
	s28 =	simm.s32 $0x16800;
	s29 =	simm.s32 $0x16880  }
0x7: {  	s30 =	simm.s32 $0x80;
	s31 =	simm.s32 $0x16900;
	s10 =	smul.u32 $0x14000, s17  }
0x8: {  	s2 =	sand.u32 $0x1, s2;
	[smem:$0x7FF] =	sst s5;
	s11 =	smul.u32 $0x2800, s17  }
0x9: {  	s6 =	sadd.s32 $0x4A00, s0;
	s7 =	sadd.s32 $0xE8E00, s0;
	s16 =	smul.u32 $0x280, s17  }
0xa: {  	s9 =	sadd.s32 $0xEDE00, s0;
	s8 =	smul.u32 $0x140000, s2;
	_ =	strace $0x8000004A  }
0xb: {  	s13 =	smul.u32 $0x28000, s2;
	s14 =	ssub.s32 $0x2, s2;
	s2 =	sshll.u32 s2, $0x4  }
0xc: {  	s15 =	sshrl.u32 s14, $0x1;
	s2 =	sor.u32 s17, s2;
	s18 =	sadd.s32 $0x100, s16  }
0xd: {  	s20 =	sadd.s32 $0x180, s16;
	s23 =	sadd.s32 $0x200, s16;
	s12 =	sadd.s32 s10, s8  }
0xe: {  	s8 =	sadd.s32 $0xE3E00, s0;
	s13 =	sadd.s32 s11, s13;
	s10 =	sadd.s32 s10, s3  }
0xf: {  	s11 =	sadd.s32 s11, s4;
	s19 =	sshll.u32 s18, $0x7;
	s21 =	sshll.u32 s20, $0x7  }
0x10: {  	s22 =	sshll.u32 s20, $0x4;
	s24 =	sshll.u32 s23, $0x7;
	s12 =	sshrl.u32 s12, $0x3  }
0x11: {  	s20 =	smul.u32 $0x1400, s2;
	s13 =	sshrl.u32 s13, $0x3;
	s12 =	sadd.s32 s12, s0  }
0x12: {  	s0 =	sadd.s32 s13, s0;
	s13 =	ssub.s32 s14, s15;
	s15 =	sadd.s32 $0x80, s16  }
0x13: {  	s2 =	simm.s32 $0x1;
	s17 =	sshll.u32 s15, $0x7;
	s26 =	sadd.s32 $0x36A00, s12  }
0x14: {  	s14 =	sshll.u32 s15, $0x4;
	s0 =	sadd.s32 $0x2CA00, s0;
	[dreg:$0xd] =	wrdreg s26  }
0x15: {  	s12 =	simm.s32 $0x2;
	s15 =	sadd.s32 s17, s3;
	[dreg:$0xe] =	wrdreg s0  }
0x16: {  	s14 =	sadd.s32 s14, s4;
	s26 =	simm.s32 $0x1D900;
	[dreg:$0x5] =	wrdreg s15  }
0x17: {  	[dreg:$0x6] =	wrdreg s14;
	s14 =	sshll.u32 s18, $0x4;
	s15 =	sadd.s32 s19, s3  }
0x18: {  	s0 =	simm.s32 $0x18900;
	[dreg:$0x7] =	wrdreg s15;
	s14 =	sadd.s32 s14, s4  }
0x19: {  	s15 =	sshll.u32 s23, $0x4;
	[dreg:$0x8] =	wrdreg s14;
	s14 =	sadd.s32 s21, s3  }
0x1a: {  	s23 =	smax.u32 s13, $0x1;
	s25 =	sadd.s32 s15, s4;
	[dreg:$0x9] =	wrdreg s14  }
0x1b: {  	s13 =	simm.s32 $0x19100;
	s14 =	sadd.s32 s22, s4;
	[dreg:$0xc] =	wrdreg s25  }
0x1c: {  	s25 =	simm.s32 $0x4;
	[dreg:$0xa] =	wrdreg s14;
	s14 =	sadd.s32 s24, s3  }
0x1d: {  	v0 =	vimm.f32 $0.0e+00;
	s24 =	simm.s32 $0x19900;
	[dreg:$0xb] =	wrdreg s14;
	s14 =	simm.s32 $0x3  }
.LBB2_1:
0x1e: {  	s15 =	simm.s32 $0x19940  }
0x1f: {  	[tilespmem:s15+$0xFFFFFFD0] =	vst v0  }
0x20: {  	[tilespmem:s15+$0xFFFFFFE0] =	vst v0  }
0x21: {  	[tilespmem:s15+$0xFFFFFFF0] =	vst v0  }
0x22: {  	[tilespmem:s15+$0x0] =	vst v0  }
0x23: {  	[tilespmem:s15+$0x10] =	vst v0  }
0x24: {  	[tilespmem:s15+$0x20] =	vst v0  }
0x25: {  	[tilespmem:s15+$0x30] =	vst v0  }
0x26: {  	s17 =	simm.s32 $0x0;
	s16 =	simm.s32 $0x40;
	[tilespmem:s15+$0xFFFFFFC0] =	vst v0  }
.LBB2_2:
0x27: {  	p0 =	sne.s32 s16, $0x1FC0;
	[tilespmem:s17+$0x1D900] =	vst v0;
	s15 =	sadd.s32 $0x80, s15  }
0x28: {  	[tilespmem:s15+$0xFFFFFFD0] =	vst v0  }
0x29: {  	[tilespmem:s15+$0xFFFFFFE0] =	vst v0  }
0x2a: {  	[tilespmem:s15+$0xFFFFFFF0] =	vst v0  }
.Ltmp0:
0x2b: {  	[tilespmem:s15+$0x0] =	vst v0;
	(pc) =	sbr.rel @p0 .LBB2_2-.Ltmp0, $4  }
0x2c: {  	[tilespmem:s15+$0x10] =	vst v0  }
0x2d: {  	[tilespmem:s15+$0x20] =	vst v0  }
0x2e: {  	[tilespmem:s15+$0x30] =	vst v0  }
0x2f: {  	s17 =	sshra.s32 s16, $0x2;
	s16 =	sadd.s32 $0x40, s16;
	[tilespmem:s15+$0xFFFFFFC0] =	vst v0  }
0x30: {  	[tilespmem:s17+$0x1D900] =	vst v0  }
0x31: {  	[spmem:s10] =	stream.linear.scatter [tilespmem:s24], [sflag:$0x4], $0x4000, $0x38;
	[tilespmem:$0x1E100] =	vst v63  }
0x32: {  	_ =	swait.ge [sflag:s25], $0x4000  }
0x33: {  	[sflag:s25] =	ssyncset.done $0x0  }
0x34: {  	[sflag:s25] =	ssyncadd.s32 $0xFFFFC000  }
0x35: {  	[spmem:s11] =	stream.linear.scatter [tilespmem:s26], [sflag:$0x4], $0x800, $0x38;
	[tilespmem:$0x1E100] =	vst v63  }
0x36: {  	_ =	swait.ge [sflag:s25], $0x800  }
0x37: {  	[sflag:s25] =	ssyncset.done $0x0  }
0x38: {  	s15 =	rddreg [dreg:$0x5];
	[sflag:s25] =	ssyncadd.s32 $0xFFFFF800  }
0x39: {  	[spmem:s15] =	stream.linear.scatter [tilespmem:s24], [sflag:$0x4], $0x4000, $0x38;
	[tilespmem:$0x1E100] =	vst v63  }
0x3a: {  	_ =	swait.ge [sflag:s25], $0x4000  }
0x3b: {  	[sflag:s25] =	ssyncset.done $0x0  }
0x3c: {  	s22 =	rddreg [dreg:$0x6];
	[sflag:s25] =	ssyncadd.s32 $0xFFFFC000  }
0x3d: {  	[spmem:s22] =	stream.linear.scatter [tilespmem:s26], [sflag:$0x4], $0x800, $0x38;
	[tilespmem:$0x1E100] =	vst v63  }
0x3e: {  	_ =	swait.ge [sflag:s25], $0x800  }
0x3f: {  	[sflag:s25] =	ssyncset.done $0x0  }
0x40: {  	s16 =	rddreg [dreg:$0x7];
	[sflag:s25] =	ssyncadd.s32 $0xFFFFF800  }
0x41: {  	[spmem:s16] =	stream.linear.scatter [tilespmem:s24], [sflag:$0x4], $0x4000, $0x38;
	[tilespmem:$0x1E100] =	vst v63  }
0x42: {  	_ =	swait.ge [sflag:s25], $0x4000  }
0x43: {  	[sflag:s25] =	ssyncset.done $0x0  }
0x44: {  	s17 =	rddreg [dreg:$0x8];
	[sflag:s25] =	ssyncadd.s32 $0xFFFFC000  }
0x45: {  	[spmem:s17] =	stream.linear.scatter [tilespmem:s26], [sflag:$0x4], $0x800, $0x38;
	[tilespmem:$0x1E100] =	vst v63  }
0x46: {  	_ =	swait.ge [sflag:s25], $0x800  }
0x47: {  	[sflag:s25] =	ssyncset.done $0x0  }
0x48: {  	s18 =	rddreg [dreg:$0x9];
	[sflag:s25] =	ssyncadd.s32 $0xFFFFF800  }
0x49: {  	[spmem:s18] =	stream.linear.scatter [tilespmem:s24], [sflag:$0x4], $0x4000, $0x38;
	[tilespmem:$0x1E100] =	vst v63  }
0x4a: {  	_ =	swait.ge [sflag:s25], $0x4000  }
0x4b: {  	[sflag:s25] =	ssyncset.done $0x0  }
0x4c: {  	s19 =	rddreg [dreg:$0xa];
	[sflag:s25] =	ssyncadd.s32 $0xFFFFC000  }
0x4d: {  	[spmem:s19] =	stream.linear.scatter [tilespmem:s26], [sflag:$0x4], $0x800, $0x38;
	[tilespmem:$0x1E100] =	vst v63  }
0x4e: {  	_ =	swait.ge [sflag:s25], $0x800  }
0x4f: {  	[sflag:s25] =	ssyncset.done $0x0  }
0x50: {  	s21 =	rddreg [dreg:$0xb];
	[sflag:s25] =	ssyncadd.s32 $0xFFFFF800  }
0x51: {  	[spmem:s21] =	stream.linear.scatter [tilespmem:s24], [sflag:$0x4], $0x4000, $0x38;
	[tilespmem:$0x1E100] =	vst v63  }
0x52: {  	_ =	swait.ge [sflag:s25], $0x4000  }
0x53: {  	[sflag:s25] =	ssyncset.done $0x0  }
0x54: {  	s22 =	rddreg [dreg:$0xc];
	[sflag:s25] =	ssyncadd.s32 $0xFFFFC000  }
0x55: {  	[spmem:s22] =	stream.linear.scatter [tilespmem:s26], [sflag:$0x4], $0x800, $0x38;
	[tilespmem:$0x1E100] =	vst v63  }
0x56: {  	_ =	swait.ge [sflag:s25], $0x800  }
0x57: {  	[sflag:s25] =	ssyncset.done $0x0  }
0x58: {  	[sflag:s25] =	ssyncadd.s32 $0xFFFFF800  }
0x59: {  	s15 =	simm.s32 $0x0;
	s16 =	simm.s32 $0x0;
	[bflag:$0x0] =	sbarrier.arrive $0xFFFF  }
.LBB2_4:
0x5a: {  	s17 =	sshll.u32 s16, $0x7  }
0x5b: {  	s18 =	sadd.s32 s20, s17  }
0x5c: {  	s17 =	sshrl.u32 s18, $0x3  }
0x5d: {  	s19 =	sadd.s32 s7, s17  }
0x5e: {  	[tilespmem:s28], [sflag:$0x4] =	stream.linear.gather [hbm4b:s19+s15], $0x80, $0x38;
	[tilespmem:$0x1E100] =	vst v63  }
0x5f: {  	_ =	swait.ge [sflag:s25], $0x80  }
0x60: {  	[sflag:s25] =	ssyncset.done $0x0  }
0x61: {  	s17 =	sadd.s32 s8, s17;
	[sflag:s25] =	ssyncadd.s32 $0xFFFFFF80  }
0x62: {  	[tilespmem:s29], [sflag:$0x4] =	stream.linear.gather [hbm4b:s17+s15], $0x80, $0x38;
	[tilespmem:$0x1E100] =	vst v63  }
0x63: {  	_ =	swait.ge [sflag:s25], $0x80  }
0x64: {  	[sflag:s25] =	ssyncset.done $0x0  }
0x65: {  	[sflag:s25] =	ssyncadd.s32 $0xFFFFFF80  }
0x66: {  	[tilespmem:s24], [sflag:$0x3] =	stream.indirect.gather [hbm4b:s6+s30], $0x80, s28, s30, $0xb8;
	[tilespmem:$0x1E100] =	vst v63  }
0x67: {  	_ = 	snop  }
0x68: {  	[tilespmem:s31], [sflag:$0x1] =	stream.indirect.gather [hbm4b:s1+s30], $0x20, s28, s30, $0xb8;
	[tilespmem:$0x1E100] =	vst v63  }
0x69: {  	s18 =	sshll.u32 s18, $0x1;
	s17 =	simm.s32 $0x17900  }
0x6a: {  	[tilespmem:s17], [sflag:$0x2] =	stream.indirect.gather [hbm4b:s1+s30], $0x20, s29, s30, $0xb8;
	[tilespmem:$0x1E100] =	vst v63  }
0x6b: {  	s18 =	sadd.s32 s9, s18  }
0x6c: {  	[tilespmem:s0], [sflag:$0x4] =	stream.linear.gather [hbm4b:s18+s15], $0x800, $0x38;
	[tilespmem:$0x1E100] =	vst v63  }
0x6d: {  	_ =	swait.ge [sflag:s25], $0x800  }
0x6e: {  	[sflag:s25] =	ssyncset.done $0x0  }
0x6f: {  	[sflag:s25] =	ssyncadd.s32 $0xFFFFF800  }
0x70: {  	_ =	swait.ge [sflag:s2], $0x1000  }
0x71: {  	[sflag:s2] =	ssyncset.done $0x0  }
0x72: {  	[sflag:s2] =	ssyncadd.s32 $0xFFFFF000  }
0x73: {  	_ =	swait.ge [sflag:s12], $0x1000  }
0x74: {  	[sflag:s12] =	ssyncset.done $0x0  }
0x75: {  	s18 =	simm.s32 $0x16910;
	[sflag:s12] =	ssyncadd.s32 $0xFFFFF000  }
0x76: {  	v1 =	vld [tilespmem:s18+$0x0]  }
0x77: {  	s21 =	simm.s32 $0x0;
	s19 =	simm.s32 $0x40;
	v2 =	vld [tilespmem:s17+$0x0]  }
.LBB2_5:
0x78: {  	p0 =	sne.s32 s19, $0x1FC0;
	s22 =	sshra.s32 s21, $0x2;
	s21 =	smov.u32 s19  }
0x79: {  	v3 =	vld [tilespmem:s22+$0x18900];
	_ =	sdelay $0x2  }
0x7a: {  	v1 =	vadd.f32 v1, v2;
	_ =	sdelay $0x1  }
0x7b: {  	v1 =	vadd.f32 v3, v1;
	_ =	sdelay $0x1  }
0x7c: {  	v2 =	vmul.f32 $9.999999770e-03, v1  }
0x7d: {  	vm0 =	vgt.f32 v1, $0.0e+00  }
0x7e: {  	v1 =	vsel vm0, v1, v2  }
0x7f: {  	v1 =	vmul.f32 $1.442695020e+00, v1;
	_ =	sdelay $0x1  }
0x80: {  	(erf) = vpow2.f32 v1;
	_ =	sdelay $0x7  }
.Ltmp1:
0x81: {  	(pc) =	sbr.rel @p0 .LBB2_5-.Ltmp1, $4  }
0x82: {  	v1 =	vpop (erf)  }
0x83: {  	s18 =	sadd.s32 $0x20, s18;
	[tilespmem:s22+$0x19100] =	vst v1  }
0x84: {  	s17 =	sadd.s32 $0x20, s17;
	v1 =	vld [tilespmem:s18+$0x0]  }
0x85: {  	s19 =	sadd.s32 $0x40, s19;
	v2 =	vld [tilespmem:s17+$0x0]  }
0x86: {  	s17 =	sshra.s32 s21, $0x2  }
0x87: {  	v3 =	vld [tilespmem:s17+$0x18900];
	_ =	sdelay $0x2  }
0x88: {  	v1 =	vadd.f32 v1, v2;
	_ =	sdelay $0x1  }
0x89: {  	v1 =	vadd.f32 v3, v1;
	_ =	sdelay $0x1  }
0x8a: {  	v2 =	vmul.f32 $9.999999770e-03, v1  }
0x8b: {  	vm0 =	vgt.f32 v1, $0.0e+00  }
0x8c: {  	v1 =	vsel vm0, v1, v2  }
0x8d: {  	v1 =	vmul.f32 $1.442695020e+00, v1;
	_ =	sdelay $0x1  }
0x8e: {  	(erf) = vpow2.f32 v1;
	_ =	sdelay $0x8  }
0x8f: {  	v1 =	vpop (erf)  }
0x90: {  	[tilespmem:s17+$0x19100] =	vst v1  }
0x91: {  	[spmem:s4] =	stream.indirect.scatter.add.f32 [tilespmem:s13], [sflag:$0x4], $0x10, s29, s30, $0xb8;
	[tilespmem:$0x1E100] =	vst v63  }
0x92: {  	_ =	swait.ge [sflag:s25], $0x800  }
0x93: {  	[sflag:s25] =	ssyncset.done $0x0  }
0x94: {  	[sflag:s25] =	ssyncadd.s32 $0xFFFFF800  }
0x95: {  	_ =	swait.ge [sflag:s14], $0x4000  }
0x96: {  	[sflag:s14] =	ssyncset.done $0x0  }
0x97: {  	s17 =	simm.s32 $0x19940;
	[sflag:s14] =	ssyncadd.s32 $0xFFFFC000  }
0x98: {  	s21 =	simm.s32 $0x0;
	s19 =	simm.s32 $0x40;
	s18 =	simm.s32 $0x19940;
	v1 =	vld [tilespmem:s17+$0xFFFFFFF0]  }
.LBB2_7:
0x99: {  	p0 =	sne.s32 s19, $0x1FC0;
	v2 =	vld [tilespmem:s21+$0x19100]  }
0x9a: {  	v3 =	vld [tilespmem:s17+$0xFFFFFFD0]  }
0x9b: {  	v4 =	vld [tilespmem:s17+$0xFFFFFFC0]  }
0x9c: {  	v5 =	vld [tilespmem:s17+$0xFFFFFFE0]  }
0x9d: {  	v6 =	vld [tilespmem:s17+$0x30]  }
0x9e: {  	v7 =	vbroadcast v2, $0x0;
	v8 =	vbroadcast v2, $0x1;
	v9 =	vld [tilespmem:s17+$0x10]  }
0x9f: {  	v10 =	vbroadcast v2, $0x2;
	v11 =	vbroadcast v2, $0x3;
	v12 =	vld [tilespmem:s17+$0x0]  }
0xa0: {  	v4 =	vmul.f32 v7, v4;
	v3 =	vmul.f32 v3, v8;
	v7 =	vld [tilespmem:s17+$0x20]  }
0xa1: {  	v1 =	vmul.f32 v1, v11;
	v5 =	vmul.f32 v5, v10  }
0xa2: {  	v8 =	vbroadcast v2, $0x5;
	[tilespmem:s17+$0xFFFFFFC0] =	vst v4;
	v4 =	vbroadcast v2, $0x4  }
0xa3: {  	[tilespmem:s17+$0xFFFFFFD0] =	vst v3;
	v3 =	vbroadcast v2, $0x6;
	v2 =	vbroadcast v2, $0x7  }
0xa4: {  	[tilespmem:s17+$0xFFFFFFE0] =	vst v5;
	v4 =	vmul.f32 v12, v4;
	v5 =	vmul.f32 v9, v8  }
.Ltmp2:
0xa5: {  	[tilespmem:s17+$0xFFFFFFF0] =	vst v1;
	v1 =	vmul.f32 v7, v3;
	v2 =	vmul.f32 v6, v2;
	(pc) =	sbr.rel @p0 .LBB2_7-.Ltmp2, $4  }
0xa6: {  	[tilespmem:s17+$0x0] =	vst v4  }
0xa7: {  	[tilespmem:s17+$0x10] =	vst v5  }
0xa8: {  	s17 =	sadd.s32 $0x80, s17;
	[tilespmem:s18+$0x20] =	vst v1  }
0xa9: {  	s21 =	sshra.s32 s19, $0x2;
	s19 =	sadd.s32 $0x40, s19;
	v1 =	vld [tilespmem:s17+$0xFFFFFFF0];
	[tilespmem:s18+$0x30] =	vst v2;
	s18 =	smov.u32 s17  }
0xaa: {  	v2 =	vld [tilespmem:s21+$0x19100];
	_ =	sdelay $0x1  }
0xab: {  	v3 =	vld [tilespmem:s17+$0xFFFFFFC0]  }
0xac: {  	v4 =	vld [tilespmem:s17+$0xFFFFFFD0]  }
0xad: {  	v5 =	vld [tilespmem:s17+$0xFFFFFFE0]  }
0xae: {  	v6 =	vbroadcast v2, $0x0  }
0xaf: {  	v9 =	vld [tilespmem:s17+$0x10];
	v7 =	vbroadcast v2, $0x1  }
0xb0: {  	v8 =	vld [tilespmem:s17+$0x0];
	v10 =	vbroadcast v2, $0x2;
	v3 =	vmul.f32 v6, v3  }
0xb1: {  	v60 =	vld [tilespmem:s17+$0x20];
	v59 =	vbroadcast v2, $0x3;
	v4 =	vmul.f32 v4, v7  }
0xb2: {  	v11 =	vld [tilespmem:s17+$0x30];
	v61 =	vbroadcast v2, $0x5;
	v5 =	vmul.f32 v5, v10;
	[tilespmem:s17+$0xFFFFFFC0] =	vst v3  }
0xb3: {  	v1 =	vmul.f32 v1, v59;
	v3 =	vbroadcast v2, $0x4;
	[tilespmem:s17+$0xFFFFFFD0] =	vst v4  }
0xb4: {  	v62 =	vbroadcast v2, $0x6;
	v63 =	vmul.f32 v9, v61;
	[tilespmem:s17+$0xFFFFFFE0] =	vst v5  }
0xb5: {  	v2 =	vbroadcast v2, $0x7;
	[tilespmem:s17+$0xFFFFFFF0] =	vst v1;
	v3 =	vmul.f32 v8, v3  }
0xb6: {  	v1 =	vmul.f32 v60, v62;
	[tilespmem:s17+$0x10] =	vst v63  }
0xb7: {  	s16 =	sadd.s32 $0x1, s16;
	v2 =	vmul.f32 v11, v2;
	[tilespmem:s17+$0x0] =	vst v3  }
0xb8: {  	p0 =	sne.s32 s16, $0x28;
	[tilespmem:s18+$0x20] =	vst v1  }
.Ltmp3:
0xb9: {  	[tilespmem:s18+$0x30] =	vst v2;
	(pc) =	sbr.rel @p0 .LBB2_4-.Ltmp3, $4  }
0xba: {  	[spmem:s3] =	stream.indirect.scatter.add.f32 [tilespmem:s24], [sflag:$0x4], $0x80, s29, s30, $0xb8;
	[tilespmem:$0x1E100] =	vst v63  }
0xbb: {  	_ =	swait.ge [sflag:s25], $0x4000  }
0xbc: {  	[sflag:s25] =	ssyncset.done $0x0  }
0xbd: {  	[sflag:s25] =	ssyncadd.s32 $0xFFFFC000  }
0xbe: {  	s15 =	stileid.u32  }
0xbf: {  	[bflag:$0x0] =	sbarrier.arrive $0xFFFF;
	s15 =	sshll.u32 s15, $0x6  }
0xc0: {  	s16 =	sshrl.u32 s10, $0x3;
	s17 =	rddreg [dreg:$0xd];
	s15 =	sor.u32 $0x1C04, s15  }
0xc1: {  	[hbm:s17], [sflag:s15] =	dma.local [spmem:s16], $0x2800  }
0xc2: {  	s5 =	sadd.s32 $0x1, s5;
	_ =	swait.ge [sflag:s25], $0x2800  }
0xc3: {  	s21 =	sshrl.u32 s11, $0x3;
	p0 =	sne.s32 s5, s23;
	[sflag:s25] =	ssyncset.done $0x0  }
.Ltmp4:
0xc4: {  	s22 =	rddreg [dreg:$0xe];
	[sflag:s25] =	ssyncadd.s32 $0xFFFFD800;
	(pc) =	sbr.rel @p0 .LBB2_1-.Ltmp4, $4  }
0xc5: {  	[hbm:s22], [sflag:s15] =	dma.local [spmem:s21], $0x500  }
0xc6: {  	_ =	swait.ge [sflag:s25], $0x500  }
0xc7: {  	[sflag:s25] =	ssyncset.done $0x0  }
0xc8: {  	[sflag:s25] =	ssyncadd.s32 $0xFFFFFB00  }
0xc9: {  	_ =	sfence.sel $0x180000  }
0xca: {  	[bflag:$0x0] =	sbarrier.arrive $0xFFFF  }
0xcb: {  	_ =	strace $0x9000004A  }
0xcc: {  	s0 =	stileid.u32;
	[bflag:$0x2] =	sbarrier.arrive $0xFFFF  }
0xcd: {  	p0 =	sne.s32 s0, $0x0;
	s0 =	rddreg [dreg:$0x4]  }
0xce: {  	s0 =	sadd.s32 @!p0 $0x100000, s0  }
0xcf: {  	[sflag:s0] =	ssyncadd.tile.s32 @!p0 $0x1;
	_ =	shalt  }
.Lfunc_end2:
_tile_overlayer_lowered:
.L_overlay_start_2:
0xd0: {  	(tag) =	ssettag $0x2  }
0xd1: {  	s0 =	rddreg [dreg:$0x0];
	s2 =	stileid.u32  }
0xd2: {  	s1 =	rddreg [dreg:$0x1];
	p0 =	sne.s32 s2, $0x0  }
0xd3: {  	s3 =	rddreg [dreg:$0x2];
	[bflag:$0x3] =	sbarrier.arrive $0xFFFF;
	s2 =	simm.s32 @!p0 $0x1C04  }
0xd4: {  	[timem:s3], [sflag:s2] =	dma.local @!p0 [hbm:s0], s1  }
0xd5: {  	s0 =	simm.s32 @!p0 $0x4  }
0xd6: {  	_ =	swait.ge @!p0 [sflag:s0], s1  }
0xd7: {  	s1 =	ssub.s32 @!p0 $0x0, s1;
	[sflag:s0] =	ssyncset.done @!p0 $0x0  }
0xd8: {  	[sflag:s0] =	ssyncadd.s32 @!p0 s1  }
0xd9: {  	[bflag:$0x3] =	sbarrier.arrive $0xFFFF  }
0xda: {  	_ =	shalt  }

// kernel: kernel.8.cloned.1.call-start
scs
__scs_entry_jumppad:
0x0: {  	(pc) =	sbr.rel $0x88, $3  }
0x1: {  	(tag) =	ssettag $0x0;
	lr =	simm.s32 $0x1  }
0x2: {  	[smem:$0x3F92] =	sst lr;
	_ =	strace $0xD0000000  }
0x3: {  	_ = 	snop  }
0x4: {  	_ = 	snop  }
0x5: {  	_ = 	snop  }
0x6: {  	_ = 	snop  }
0x7: {  	_ = 	snop  }
__scs_overlays_trampoline_lowered:
0x8: {  	[smem:$0x3FA1] =	sst s0  }
0x9: {  	[smem:$0x3FA2] =	sst s1  }
0xa: {  	[smem:$0x3FA3] =	sst s2  }
0xb: {  	[smem:$0x3FA4] =	sst s3  }
0xc: {  	[smem:$0x3FA5] =	sst s4  }
0xd: {  	[smem:$0x3FA6] =	sst s5  }
0xe: {  	[smem:$0x3FA7] =	sst s6  }
0xf: {  	[smem:$0x3FA8] =	sst s7  }
0x10: {  	[smem:$0x3FA9] =	sst s8  }
0x11: {  	[smem:$0x3FAA] =	sst s9;
	s0 =	simm.s32 @!p0 $0x0  }
0x12: {  	s1 =	sld [smem:$0x3F90];
	s0 =	simm.s32 @p0 $0x1  }
0x13: {  	[smem:$0x3FAB] =	sst s0;
	s0 =	simm.s32 @!p1 $0x0  }
0x14: {  	s2 =	sld [smem:$0x3F8F];
	s0 =	simm.s32 @p1 $0x1  }
0x15: {  	[smem:$0x3FAC] =	sst s0;
	s0 =	simm.s32 @!p2 $0x0  }
0x16: {  	s3 =	sld [smem:$0x3FDB];
	s0 =	simm.s32 @p2 $0x1  }
0x17: {  	s4 =	simm.s32 $0x1BF5;
	[smem:$0x3FAE] =	sst s0  }
0x18: {  	s0 =	sld [smem:$0x3F91];
	_ =	swait.ge [sflag:s4], $0x0  }
0x19: {  	s7 =	sld [smem:$0x3F92]  }
0x1a: {  	s8 =	sadd.s32 $0xFFFFE003, lr  }
0x1b: {  	s9 =	sadd.s32 $0xFFFFFEF7, lr;
	s5 =	simm.s32 $0xFFFFFFFF;
	p2 =	slt.u32 s8, $0xFFFFF086  }
0x1c: {  	p1 =	slt.u32 s9, $0xF7A;
	s5 =	simm.s32 @!p2 $0x0  }
0x1d: {  	s5 =	simm.s32 @p1 $0x1;
	p0 =	seq.s32 s7, s2  }
0x1e: {  	s7 =	smul.u32 @!p0 $0xF7A, s2;
	p2 =	seq.s32 @!p0 s5, $0x0  }
0x1f: {  	s9 =	smul.u32 $0xF7A, s1;
	s8 =	simm.s32 @!p0 $0x1BF5;
	p2 =	por !p2, p0  }
0x20: {  	[sflag:s8] =	ssyncset.s32 @!p0 $0xFFFFF086;
	s6 =	sadd.s32 @!p0 s3, s7;
	s7 =	simm.s32 @!p0 $0x108  }
0x21: {  	s3 =	sadd.s32 s3, s9;
	s6 =	sadd.s32 @!p0 $0x88, s6;
	s7 =	simm.s32 @p2 $0x1082  }
0x22: {  	[simem:s7], [sflag:s8] =	dma.local @!p0 [hbm:s6], $0xF7A  }
0x23: {  	s9 =	sor.u32 $0xD0000000, s2;
	s6 =	simm.s32 $0x108;
	_ =	swait.ge @!p0 [sflag:s8], $0x0  }
0x24: {  	s3 =	sadd.s32 $0x88, s3;
	s6 =	simm.s32 @!p1 $0x1082;
	[sflag:s4] =	ssyncset.s32 $0xFFFFF086  }
0x25: {  	[simem:s6], [sflag:s4] =	dma.local [hbm:s3], $0xF7A  }
0x26: {  	[smem:$0x3F92] =	sst s1;
	(tag) =	ssettag s2;
	_ =	strace s9  }
0x27: {  	s1 =	sld [smem:$0x3FA2]  }
0x28: {  	s2 =	sld [smem:$0x3FA3]  }
0x29: {  	s4 =	sld [smem:$0x3FA5]  }
0x2a: {  	p0 =	seq.s32 s5, $0x0;
	s5 =	sld [smem:$0x3FA6]  }
0x2b: {  	s6 =	sld [smem:$0x3FA7]  }
0x2c: {  	s7 =	sld [smem:$0x3FA8]  }
0x2d: {  	s3 =	simm.s32 $0x108;
	s8 =	sld [smem:$0x3FA9]  }
0x2e: {  	s3 =	simm.s32 @!p0 $0x1082;
	s9 =	sld [smem:$0x3FAA]  }
0x2f: {  	lr =	sadd.s32 s0, s3;
	s0 =	sld [smem:$0x3FA1]  }
0x30: {  	s3 =	sld [smem:$0x3FA4]  }
0x31: {  	[smem:$0x3FAD] =	sst s10  }
0x32: {  	s10 =	sld [smem:$0x3FAB];
	_ =	sdelay $0x3  }
0x33: {  	p0 =	seq.s32 s10, $0x1;
	s10 =	sld [smem:$0x3FAD];
	_ =	sdelay $0x3  }
0x34: {  	[smem:$0x3FAD] =	sst s10  }
0x35: {  	s10 =	sld [smem:$0x3FAC];
	_ =	sdelay $0x3  }
0x36: {  	p1 =	seq.s32 s10, $0x1;
	s10 =	sld [smem:$0x3FAD];
	_ =	sdelay $0x3  }
0x37: {  	[smem:$0x3FAD] =	sst s10  }
0x38: {  	s10 =	sld [smem:$0x3FAE]  }
0x39: {  	_ = 	snop;
	(pc) =	sbr.ind lr, $3  }
0x3a: {  	_ = 	snop  }
0x3b: {  	_ = 	snop  }
0x3c: {  	p2 =	seq.s32 s10, $0x1;
	s10 =	sld [smem:$0x3FAD]  }
0x3d: {  	_ =	shalt  }
0x3e: {  	_ =	shalt  }
0x3f: {  	_ =	shalt  }
0x40: {  	_ =	shalt  }
0x41: {  	_ =	shalt  }
0x42: {  	_ =	shalt  }
0x43: {  	_ =	shalt  }
0x44: {  	_ =	shalt  }
0x45: {  	_ =	shalt  }
0x46: {  	_ =	shalt  }
0x47: {  	_ =	shalt  }
0x48: {  	_ =	shalt  }
0x49: {  	_ =	shalt  }
0x4a: {  	_ =	shalt  }
0x4b: {  	_ =	shalt  }
0x4c: {  	_ =	shalt  }
0x4d: {  	_ =	shalt  }
0x4e: {  	_ =	shalt  }
0x4f: {  	_ =	shalt  }
0x50: {  	_ =	shalt  }
0x51: {  	_ =	shalt  }
0x52: {  	_ =	shalt  }
0x53: {  	_ =	shalt  }
0x54: {  	_ =	shalt  }
0x55: {  	_ =	shalt  }
0x56: {  	_ =	shalt  }
0x57: {  	_ =	shalt  }
0x58: {  	_ =	shalt  }
0x59: {  	_ =	shalt  }
0x5a: {  	_ =	shalt  }
0x5b: {  	_ =	shalt  }
0x5c: {  	_ =	shalt  }
0x5d: {  	_ =	shalt  }
0x5e: {  	_ =	shalt  }
0x5f: {  	_ =	shalt  }
0x60: {  	_ =	shalt  }
0x61: {  	_ =	shalt  }
0x62: {  	_ =	shalt  }
0x63: {  	_ =	shalt  }
0x64: {  	_ =	shalt  }
0x65: {  	_ =	shalt  }
0x66: {  	_ =	shalt  }
0x67: {  	_ =	shalt  }
0x68: {  	_ =	shalt  }
0x69: {  	_ =	shalt  }
0x6a: {  	_ =	shalt  }
0x6b: {  	_ =	shalt  }
0x6c: {  	_ =	shalt  }
0x6d: {  	_ =	shalt  }
0x6e: {  	_ =	shalt  }
0x6f: {  	_ =	shalt  }
0x70: {  	_ =	shalt  }
0x71: {  	_ =	shalt  }
0x72: {  	_ =	shalt  }
0x73: {  	_ =	shalt  }
0x74: {  	_ =	shalt  }
0x75: {  	_ =	shalt  }
0x76: {  	_ =	shalt  }
0x77: {  	_ =	shalt  }
0x78: {  	_ =	shalt  }
0x79: {  	_ =	shalt  }
0x7a: {  	_ =	shalt  }
0x7b: {  	_ =	shalt  }
0x7c: {  	_ =	shalt  }
0x7d: {  	_ =	shalt  }
0x7e: {  	_ =	shalt  }
0x7f: {  	_ =	shalt  }
0x80: {  	_ =	shalt  }
0x81: {  	_ =	shalt  }
0x82: {  	_ =	shalt  }
0x83: {  	_ =	shalt  }
0x84: {  	_ =	shalt  }
0x85: {  	_ =	shalt  }
0x86: {  	_ =	shalt  }
0x87: {  	_ =	shalt  }
.Lfunc_end0:
.L_simem_size_0:
called_computation_lowered:
.L_overlay_start_0:
0x88: {  	s2 =	sld [smem:$0x3FD9]  }
0x89: {  	s3 =	sld [smem:$0x3FFE];
	_ =	sdelay $0x1  }
0x8a: {  	s1 =	srdreg.scid  }
0x8b: {  	s0 =	sand.u32 $0x1, s1  }
0x8c: {  	s17 =	sshll.u32 s0, $0xA;
	s2 =	sadd.s32 s3, s2  }
0x8d: {  	s2 =	sadd.s32 s2, s17  }
0x8e: {  	[smem:$0x3FB9] =	sst s2  }
0x8f: {  	_ = 	snop  }
0x90: {  	s2 =	sld [smem:$0x3FD0];
	(tm) =	ssettm $0x1  }
0x91: {  	s18 =	sld [smem:$0x3FFB];
	_ =	sdelay $0x3  }
0x92: {  	_ =	strace s18  }
0x93: {  	s3 =	sld [smem:$0x3FFC];
	_ =	sdelay $0x3  }
0x94: {  	_ =	strace s3  }
0x95: {  	s3 =	sld [smem:$0x3FFD];
	_ =	sdelay $0x3  }
0x96: {  	_ =	strace s3  }
0x97: {  	_ =	strace $0x8FFFFFFF  }
0x98: {  	s19 =	sld [smem:$0x3FDB];
	_ =	sdelay $0x1  }
0x99: {  	s4 =	simm.s32 $_scs_section_size  }
0x9a: {  	s5 =	simm.s32 $_size__tile_overlayer_lowered;
	s6 =	simm.s32 $_tile_overlayer_lowered  }
0x9b: {  	s22 =	simm.s32 $0x1BFF;
	s21 =	sshll.u32 s6, $0x1;
	s3 =	sadd.s32 s4, s19  }
0x9c: {  	s7 =	simm.s32 $0x0;
	s20 =	sshll.u32 s5, $0x1;
	s5 =	sadd.s32 s21, s3  }
0x9d: {  	[timem:s7], [sflag:s22] =	dma.local [hbm:s5], s20  }
0x9e: {  	_ =	swait.ge [sflag:s22], s20  }
0x9f: {  	s4 =	ssub.s32 $0x0, s20;
	[sflag:s22] =	ssyncset.done $0x0  }
0xa0: {  	[sflag:s22] =	ssyncadd.s32 s4;
	_ =	sdelay $0x1  }
0xa1: {  	s23 =	simm.s32 $0x1B8B  }
0xa2: {  	_ =	swait.ge [sflag:s23], $0x1  }
0xa3: {  	[sflag:s23] =	ssyncset.done $0x0  }
0xa4: {  	s25 =	simm.s32 $0x1B8E;
	s24 =	sld [smem:$0x3FFE];
	[sflag:s23] =	ssyncadd.s32 $0xFFFFFFFF  }
0xa5: {  	s26 =	simm.s32 $execute0_lowered;
	[smem:$0x3FD2] =	sst s25  }
0xa6: {  	s5 =	sshll.u32 s26, $0x1;
	_ =	strace $0x80000046;
	[dreg:$0x1] =	wrdreg $0xFFFFFFFF  }
0xa7: {  	s28 =	simm.s32 $_size_execute0_lowered;
	s3 =	sadd.s32 s3, s5;
	[dreg:$0x0] =	wrdreg $0x0  }
0xa8: {  	s5 =	sshll.u32 s28, $0x1;
	[dreg:$0x2] =	wrdreg s3  }
0xa9: {  	[dreg:$0x3] =	wrdreg s5  }
0xaa: {  	[dreg:$0x4] =	wrdreg $0xC0  }
0xab: {  	_ =	task [dreg:s7], $0x5FFFF  }
0xac: {  	[dreg:$0x1] =	wrdreg $0xFFFFFFFF  }
0xad: {  	[dreg:$0x0] =	wrdreg $0x60  }
0xae: {  	[dreg:$0x2] =	wrdreg s2  }
0xaf: {  	[dreg:$0x3] =	wrdreg s24  }
0xb0: {  	[dreg:$0x4] =	wrdreg $0x0  }
0xb1: {  	[dreg:$0x5] =	wrdreg $0x140000  }
0xb2: {  	[dreg:$0x6] =	wrdreg $0x9  }
0xb3: {  	_ =	task.clear_ibuf [dreg:s7], $0x7FFFF;
	_ =	strace $0x90000046  }
0xb4: {  	s29 =	simm.s32 $0x9;
	_ =	strace $0x80000048  }
0xb5: {  	_ =	swait.ge [sflag:s29], $0x1  }
0xb6: {  	[sflag:s29] =	ssyncadd.s32 $0xFFFFFFFF  }
0xb7: {  	_ =	strace $0x90000048  }
0xb8: {  	_ =	sfence  }
0xb9: {  	s30 =	sld [smem:$0x0];
	_ =	sdelay $0x2  }
0xba: {  	s31 =	sshll.u32 s1, $0xD;
	s1 =	sshrl.u32 s1, $0x2  }
0xbb: {  	s3 =	sand.u32 $0x4000, s31;
	s1 =	sadd.s32 s1, s30  }
0xbc: {  	s0 =	sor.u32 s3, s0;
	s1 =	sshll.u32 s1, $0x11  }
0xbd: {  	s0 =	sor.u32 s1, s0  }
0xbe: {  	s0 =	sadd.s32 $0x8F2B, s0  }
0xbf: {  	[sflag:s0] =	ssyncadd.remote.s32 $0x1  }
0xc0: {  	_ =	sfence.sel $0xFFFF  }
0xc1: {  	[dreg:$0x0] =	wrdreg $0xFFFFFFFF;
	(pc) =	sbr.abs _section_cstart, $3  }
0xc2: {  	[dreg:$0x1] =	wrdreg $0xFFFFFFFF  }
0xc3: {  	_ =	task.clear_ibuf [dreg:s7], $0x2FFFF;
	_ =	strace $0x9FFFFFFF  }
0xc4: {  	(tm) =	ssettm $0x7FFFFFFF  }
0xc5: {  	_ =	shalt  }
tec
execute0_lowered:
.L_overlay_start_1:
0x0: {  	(tag) =	ssettag $0x1  }
0x1: {  	s1 =	rddreg [dreg:$0x0]  }
0x2: {  	s0 =	rddreg [dreg:$0x1]  }
0x3: {  	s3 =	rddreg [dreg:$0x2]  }
0x4: {  	s4 =	rddreg [dreg:$0x3]  }
0x5: {  	s2 =	srdreg.scid;
	s16 =	stileid.u32  }
0x6: {  	s5 =	simm.s32 $0x0;
	s28 =	simm.s32 $0x16880;
	s29 =	simm.s32 $0x80  }
0x7: {  	s30 =	simm.s32 $0x16900;
	s31 =	simm.s32 $0x17900;
	s9 =	smul.u32 $0x14000, s16  }
0x8: {  	s2 =	sand.u32 $0x1, s2;
	[smem:$0x7FF] =	sst s5;
	s10 =	smul.u32 $0x2800, s16  }
0x9: {  	s6 =	sadd.s32 $0x37A00, s0;
	s8 =	sadd.s32 $0x5A00, s0;
	s15 =	smul.u32 $0x280, s16  }
0xa: {  	s7 =	smul.u32 $0x140000, s2;
	_ =	strace $0x80000047;
	s13 =	ssub.s32 $0x2, s2  }
0xb: {  	s12 =	smul.u32 $0x28000, s2;
	s2 =	sshll.u32 s2, $0x4;
	s14 =	sshrl.u32 s13, $0x1  }
0xc: {  	s2 =	sor.u32 s16, s2;
	s17 =	sadd.s32 $0x80, s15;
	s19 =	sadd.s32 $0x100, s15  }
0xd: {  	s21 =	sadd.s32 $0x180, s15;
	s24 =	sadd.s32 $0x200, s15;
	s11 =	sadd.s32 s9, s7  }
0xe: {  	s7 =	sadd.s32 $0xAA00, s0;
	s12 =	sadd.s32 s10, s12;
	s9 =	sadd.s32 s9, s3  }
0xf: {  	s10 =	sadd.s32 s10, s4;
	s18 =	sshll.u32 s17, $0x7;
	s20 =	sshll.u32 s19, $0x7  }
0x10: {  	s22 =	sshll.u32 s21, $0x7;
	s11 =	sshrl.u32 s11, $0x3;
	s12 =	sshrl.u32 s12, $0x3  }
0x11: {  	s23 =	sshll.u32 s21, $0x4;
	s11 =	sadd.s32 s11, s0;
	s0 =	sadd.s32 s12, s0  }
0x12: {  	s12 =	ssub.s32 s13, s14;
	s13 =	sshll.u32 s17, $0x4;
	s14 =	sadd.s32 s18, s3  }
0x13: {  	s25 =	sshll.u32 s24, $0x7;
	[dreg:$0x5] =	wrdreg s14;
	s13 =	sadd.s32 s13, s4  }
0x14: {  	s14 =	sadd.s32 s20, s3;
	s20 =	sadd.s32 $0x93E00, s11;
	s21 =	sadd.s32 $0x89E00, s0  }
0x15: {  	s0 =	simm.s32 $0x1;
	s11 =	simm.s32 $0x18900;
	[dreg:$0x6] =	wrdreg s13  }
0x16: {  	s13 =	sshll.u32 s19, $0x4;
	[dreg:$0x7] =	wrdreg s14;
	s14 =	sshll.u32 s24, $0x4  }
0x17: {  	s19 =	smul.u32 $0x1400, s2;
	s24 =	simm.s32 $0x4;
	s13 =	sadd.s32 s13, s4  }
0x18: {  	s2 =	simm.s32 $0x2;
	s26 =	sadd.s32 s14, s4;
	[dreg:$0x8] =	wrdreg s13  }
0x19: {  	s13 =	sadd.s32 s22, s3;
	[dreg:$0xc] =	wrdreg s26;
	s22 =	smax.u32 s12, $0x1  }
0x1a: {  	s26 =	simm.s32 $0x16800;
	[dreg:$0x9] =	wrdreg s13;
	s13 =	sadd.s32 s23, s4  }
0x1b: {  	s12 =	simm.s32 $0x3;
	[dreg:$0xa] =	wrdreg s13;
	s13 =	sadd.s32 s25, s3  }
0x1c: {  	v0 =	vimm.f32 $0.0e+00;
	s23 =	simm.s32 $0x19100;
	s25 =	simm.s32 $0x1D100;
	[dreg:$0xb] =	wrdreg s13  }
.LBB2_1:
0x1d: {  	s13 =	simm.s32 $0x19140  }
0x1e: {  	[tilespmem:s13+$0xFFFFFFD0] =	vst v0  }
0x1f: {  	[tilespmem:s13+$0xFFFFFFE0] =	vst v0  }
0x20: {  	[tilespmem:s13+$0xFFFFFFF0] =	vst v0  }
0x21: {  	[tilespmem:s13+$0x0] =	vst v0  }
0x22: {  	[tilespmem:s13+$0x10] =	vst v0  }
0x23: {  	[tilespmem:s13+$0x20] =	vst v0  }
0x24: {  	[tilespmem:s13+$0x30] =	vst v0  }
0x25: {  	s15 =	simm.s32 $0x0;
	s14 =	simm.s32 $0x40;
	[tilespmem:s13+$0xFFFFFFC0] =	vst v0  }
.LBB2_2:
0x26: {  	p0 =	sne.s32 s14, $0x1FC0;
	[tilespmem:s15+$0x1D100] =	vst v0;
	s13 =	sadd.s32 $0x80, s13  }
0x27: {  	[tilespmem:s13+$0xFFFFFFD0] =	vst v0  }
0x28: {  	[tilespmem:s13+$0xFFFFFFE0] =	vst v0  }
0x29: {  	[tilespmem:s13+$0xFFFFFFF0] =	vst v0  }
.Ltmp0:
0x2a: {  	[tilespmem:s13+$0x0] =	vst v0;
	(pc) =	sbr.rel @p0 .LBB2_2-.Ltmp0, $4  }
0x2b: {  	[tilespmem:s13+$0x10] =	vst v0  }
0x2c: {  	[tilespmem:s13+$0x20] =	vst v0  }
0x2d: {  	[tilespmem:s13+$0x30] =	vst v0  }
0x2e: {  	s15 =	sshra.s32 s14, $0x2;
	s14 =	sadd.s32 $0x40, s14;
	[tilespmem:s13+$0xFFFFFFC0] =	vst v0  }
0x2f: {  	[tilespmem:s15+$0x1D100] =	vst v0  }
0x30: {  	[spmem:s9] =	stream.linear.scatter [tilespmem:s23], [sflag:$0x4], $0x4000, $0x38;
	[tilespmem:$0x1D900] =	vst v63  }
0x31: {  	_ =	swait.ge [sflag:s24], $0x4000  }
0x32: {  	[sflag:s24] =	ssyncset.done $0x0  }
0x33: {  	[sflag:s24] =	ssyncadd.s32 $0xFFFFC000  }
0x34: {  	[spmem:s10] =	stream.linear.scatter [tilespmem:s25], [sflag:$0x4], $0x800, $0x38;
	[tilespmem:$0x1D900] =	vst v63  }
0x35: {  	_ =	swait.ge [sflag:s24], $0x800  }
0x36: {  	[sflag:s24] =	ssyncset.done $0x0  }
0x37: {  	s13 =	rddreg [dreg:$0x5];
	[sflag:s24] =	ssyncadd.s32 $0xFFFFF800  }
0x38: {  	[spmem:s13] =	stream.linear.scatter [tilespmem:s23], [sflag:$0x4], $0x4000, $0x38;
	[tilespmem:$0x1D900] =	vst v63  }
0x39: {  	_ =	swait.ge [sflag:s24], $0x4000  }
0x3a: {  	[sflag:s24] =	ssyncset.done $0x0  }
0x3b: {  	s17 =	rddreg [dreg:$0x6];
	[sflag:s24] =	ssyncadd.s32 $0xFFFFC000  }
0x3c: {  	[spmem:s17] =	stream.linear.scatter [tilespmem:s25], [sflag:$0x4], $0x800, $0x38;
	[tilespmem:$0x1D900] =	vst v63  }
0x3d: {  	_ =	swait.ge [sflag:s24], $0x800  }
0x3e: {  	[sflag:s24] =	ssyncset.done $0x0  }
0x3f: {  	s18 =	rddreg [dreg:$0x7];
	[sflag:s24] =	ssyncadd.s32 $0xFFFFF800  }
0x40: {  	[spmem:s18] =	stream.linear.scatter [tilespmem:s23], [sflag:$0x4], $0x4000, $0x38;
	[tilespmem:$0x1D900] =	vst v63  }
0x41: {  	_ =	swait.ge [sflag:s24], $0x4000  }
0x42: {  	[sflag:s24] =	ssyncset.done $0x0  }
0x43: {  	s14 =	rddreg [dreg:$0x8];
	[sflag:s24] =	ssyncadd.s32 $0xFFFFC000  }
0x44: {  	[spmem:s14] =	stream.linear.scatter [tilespmem:s25], [sflag:$0x4], $0x800, $0x38;
	[tilespmem:$0x1D900] =	vst v63  }
0x45: {  	_ =	swait.ge [sflag:s24], $0x800  }
0x46: {  	[sflag:s24] =	ssyncset.done $0x0  }
0x47: {  	s15 =	rddreg [dreg:$0x9];
	[sflag:s24] =	ssyncadd.s32 $0xFFFFF800  }
0x48: {  	[spmem:s15] =	stream.linear.scatter [tilespmem:s23], [sflag:$0x4], $0x4000, $0x38;
	[tilespmem:$0x1D900] =	vst v63  }
0x49: {  	_ =	swait.ge [sflag:s24], $0x4000  }
0x4a: {  	[sflag:s24] =	ssyncset.done $0x0  }
0x4b: {  	s16 =	rddreg [dreg:$0xa];
	[sflag:s24] =	ssyncadd.s32 $0xFFFFC000  }
0x4c: {  	[spmem:s16] =	stream.linear.scatter [tilespmem:s25], [sflag:$0x4], $0x800, $0x38;
	[tilespmem:$0x1D900] =	vst v63  }
0x4d: {  	_ =	swait.ge [sflag:s24], $0x800  }
0x4e: {  	[sflag:s24] =	ssyncset.done $0x0  }
0x4f: {  	s17 =	rddreg [dreg:$0xb];
	[sflag:s24] =	ssyncadd.s32 $0xFFFFF800  }
0x50: {  	[spmem:s17] =	stream.linear.scatter [tilespmem:s23], [sflag:$0x4], $0x4000, $0x38;
	[tilespmem:$0x1D900] =	vst v63  }
0x51: {  	_ =	swait.ge [sflag:s24], $0x4000  }
0x52: {  	[sflag:s24] =	ssyncset.done $0x0  }
0x53: {  	s18 =	rddreg [dreg:$0xc];
	[sflag:s24] =	ssyncadd.s32 $0xFFFFC000  }
0x54: {  	[spmem:s18] =	stream.linear.scatter [tilespmem:s25], [sflag:$0x4], $0x800, $0x38;
	[tilespmem:$0x1D900] =	vst v63  }
0x55: {  	_ =	swait.ge [sflag:s24], $0x800  }
0x56: {  	[sflag:s24] =	ssyncset.done $0x0  }
0x57: {  	[sflag:s24] =	ssyncadd.s32 $0xFFFFF800  }
0x58: {  	s13 =	simm.s32 $0x0;
	s14 =	simm.s32 $0x0;
	[bflag:$0x0] =	sbarrier.arrive $0xFFFF  }
.LBB2_4:
0x59: {  	s15 =	sshll.u32 s14, $0x7  }
0x5a: {  	s15 =	sadd.s32 s19, s15  }
0x5b: {  	s15 =	sshrl.u32 s15, $0x3  }
0x5c: {  	s16 =	sadd.s32 s7, s15  }
0x5d: {  	[tilespmem:s26], [sflag:$0x4] =	stream.linear.gather [hbm4b:s16+s13], $0x80, $0x38;
	[tilespmem:$0x1D900] =	vst v63  }
0x5e: {  	_ =	swait.ge [sflag:s24], $0x80  }
0x5f: {  	[sflag:s24] =	ssyncset.done $0x0  }
0x60: {  	s15 =	sadd.s32 s8, s15;
	[sflag:s24] =	ssyncadd.s32 $0xFFFFFF80  }
0x61: {  	[tilespmem:s28], [sflag:$0x4] =	stream.linear.gather [hbm4b:s15+s13], $0x80, $0x38;
	[tilespmem:$0x1D900] =	vst v63  }
0x62: {  	_ =	swait.ge [sflag:s24], $0x80  }
0x63: {  	[sflag:s24] =	ssyncset.done $0x0  }
0x64: {  	[sflag:s24] =	ssyncadd.s32 $0xFFFFFF80  }
0x65: {  	[tilespmem:s23], [sflag:$0x3] =	stream.indirect.gather [hbm4b:s6+s29], $0x80, s26, s29, $0xb8;
	[tilespmem:$0x1D900] =	vst v63  }
0x66: {  	_ = 	snop  }
0x67: {  	[tilespmem:s30], [sflag:$0x1] =	stream.indirect.gather [hbm4b:s1+s29], $0x20, s26, s29, $0xb8;
	[tilespmem:$0x1D900] =	vst v63  }
0x68: {  	_ = 	snop  }
0x69: {  	[tilespmem:s31], [sflag:$0x2] =	stream.indirect.gather [hbm4b:s1+s29], $0x20, s28, s29, $0xb8;
	[tilespmem:$0x1D900] =	vst v63  }
0x6a: {  	_ =	swait.ge [sflag:s0], $0x1000  }
0x6b: {  	[sflag:s0] =	ssyncset.done $0x0  }
0x6c: {  	[sflag:s0] =	ssyncadd.s32 $0xFFFFF000  }
0x6d: {  	_ =	swait.ge [sflag:s2], $0x1000  }
0x6e: {  	[sflag:s2] =	ssyncset.done $0x0  }
0x6f: {  	s18 =	simm.s32 $0x0;
	[sflag:s2] =	ssyncadd.s32 $0xFFFFF000  }
0x70: {  	v1 =	vld [tilespmem:s18+$0x17910]  }
0x71: {  	v2 =	vld [tilespmem:s18+$0x16900];
	_ =	sdelay $0x4  }
0x72: {  	v1 =	vadd.f32 v1, v2;
	_ =	sdelay $0x1  }
0x73: {  	v2 =	vmul.f32 $9.999999770e-03, v1  }
0x74: {  	vm0 =	vgt.f32 v1, $0.0e+00  }
0x75: {  	v1 =	vsel vm0, v1, v2  }
0x76: {  	v1 =	vmul.f32 $1.442695020e+00, v1;
	_ =	sdelay $0x1  }
0x77: {  	(erf) = vpow2.f32 v1;
	_ =	sdelay $0x8  }
0x78: {  	s15 =	simm.s32 $0x18900;
	v1 =	vpop (erf)  }
0x79: {  	s17 =	simm.s32 $0x20;
	[tilespmem:s15+$0x0] =	vst v1  }
0x7a: {  	s16 =	simm.s32 $0x100;
	v1 =	vld [tilespmem:s17+$0x17910]  }
.LBB2_5:
0x7b: {  	p0 =	sne.s32 s16, $0x3F80;
	v2 =	vld [tilespmem:s17+$0x16900];
	_ =	sdelay $0x4  }
0x7c: {  	v1 =	vadd.f32 v1, v2;
	_ =	sdelay $0x1  }
0x7d: {  	v2 =	vmul.f32 $9.999999770e-03, v1  }
0x7e: {  	vm0 =	vgt.f32 v1, $0.0e+00  }
0x7f: {  	v1 =	vsel vm0, v1, v2  }
0x80: {  	v1 =	vmul.f32 $1.442695020e+00, v1;
	_ =	sdelay $0x1  }
0x81: {  	(erf) = vpow2.f32 v1;
	_ =	sdelay $0x6  }
.Ltmp1:
0x82: {  	(pc) =	sbr.rel @p0 .LBB2_5-.Ltmp1, $4  }
0x83: {  	_ = 	snop  }
0x84: {  	s15 =	sadd.s32 $0x10, s15;
	v1 =	vpop (erf)  }
0x85: {  	s17 =	sshra.s32 s16, $0x2;
	[tilespmem:s15+$0x0] =	vst v1  }
0x86: {  	s16 =	sadd.s32 $0x80, s16;
	v1 =	vld [tilespmem:s17+$0x17910]  }
0x87: {  	v2 =	vld [tilespmem:s17+$0x16900];
	_ =	sdelay $0x4  }
0x88: {  	v1 =	vadd.f32 v1, v2;
	_ =	sdelay $0x1  }
0x89: {  	v2 =	vmul.f32 $9.999999770e-03, v1  }
0x8a: {  	vm0 =	vgt.f32 v1, $0.0e+00  }
0x8b: {  	v1 =	vsel vm0, v1, v2  }
0x8c: {  	v1 =	vmul.f32 $1.442695020e+00, v1;
	_ =	sdelay $0x1  }
0x8d: {  	(erf) = vpow2.f32 v1;
	_ =	sdelay $0x8  }
0x8e: {  	s15 =	sadd.s32 $0x10, s15;
	v1 =	vpop (erf)  }
0x8f: {  	[tilespmem:s15+$0x0] =	vst v1  }
0x90: {  	[spmem:s4] =	stream.indirect.scatter.add.f32 [tilespmem:s11], [sflag:$0x4], $0x10, s28, s29, $0xb8;
	[tilespmem:$0x1D900] =	vst v63  }
0x91: {  	_ =	swait.ge [sflag:s24], $0x800  }
0x92: {  	[sflag:s24] =	ssyncset.done $0x0  }
0x93: {  	[sflag:s24] =	ssyncadd.s32 $0xFFFFF800  }
0x94: {  	_ =	swait.ge [sflag:s12], $0x4000  }
0x95: {  	[sflag:s12] =	ssyncset.done $0x0  }
0x96: {  	s15 =	simm.s32 $0x19140;
	[sflag:s12] =	ssyncadd.s32 $0xFFFFC000  }
0x97: {  	s18 =	simm.s32 $0x0;
	s17 =	simm.s32 $0x40;
	s16 =	simm.s32 $0x19140;
	v1 =	vld [tilespmem:s15+$0xFFFFFFF0]  }
.LBB2_7:
0x98: {  	p0 =	sne.s32 s17, $0x1FC0;
	v2 =	vld [tilespmem:s18+$0x18900]  }
0x99: {  	v3 =	vld [tilespmem:s15+$0xFFFFFFD0]  }
0x9a: {  	v4 =	vld [tilespmem:s15+$0xFFFFFFC0]  }
0x9b: {  	v5 =	vld [tilespmem:s15+$0xFFFFFFE0]  }
0x9c: {  	v6 =	vld [tilespmem:s15+$0x30]  }
0x9d: {  	v7 =	vbroadcast v2, $0x0;
	v8 =	vbroadcast v2, $0x1;
	v9 =	vld [tilespmem:s15+$0x10]  }
0x9e: {  	v10 =	vbroadcast v2, $0x2;
	v11 =	vbroadcast v2, $0x3;
	v12 =	vld [tilespmem:s15+$0x0]  }
0x9f: {  	v4 =	vmul.f32 v7, v4;
	v3 =	vmul.f32 v3, v8;
	v7 =	vld [tilespmem:s15+$0x20]  }
0xa0: {  	v1 =	vmul.f32 v1, v11;
	v5 =	vmul.f32 v5, v10  }
0xa1: {  	v8 =	vbroadcast v2, $0x5;
	[tilespmem:s15+$0xFFFFFFC0] =	vst v4;
	v4 =	vbroadcast v2, $0x4  }
0xa2: {  	[tilespmem:s15+$0xFFFFFFD0] =	vst v3;
	v3 =	vbroadcast v2, $0x6;
	v2 =	vbroadcast v2, $0x7  }
0xa3: {  	[tilespmem:s15+$0xFFFFFFE0] =	vst v5;
	v4 =	vmul.f32 v12, v4;
	v5 =	vmul.f32 v9, v8  }
.Ltmp2:
0xa4: {  	[tilespmem:s15+$0xFFFFFFF0] =	vst v1;
	v1 =	vmul.f32 v7, v3;
	v2 =	vmul.f32 v6, v2;
	(pc) =	sbr.rel @p0 .LBB2_7-.Ltmp2, $4  }
0xa5: {  	[tilespmem:s15+$0x0] =	vst v4  }
0xa6: {  	[tilespmem:s15+$0x10] =	vst v5  }
0xa7: {  	s15 =	sadd.s32 $0x80, s15;
	[tilespmem:s16+$0x20] =	vst v1  }
0xa8: {  	s18 =	sshra.s32 s17, $0x2;
	s17 =	sadd.s32 $0x40, s17;
	v1 =	vld [tilespmem:s15+$0xFFFFFFF0];
	[tilespmem:s16+$0x30] =	vst v2;
	s16 =	smov.u32 s15  }
0xa9: {  	v2 =	vld [tilespmem:s18+$0x18900];
	_ =	sdelay $0x1  }
0xaa: {  	v3 =	vld [tilespmem:s15+$0xFFFFFFC0]  }
0xab: {  	v4 =	vld [tilespmem:s15+$0xFFFFFFD0]  }
0xac: {  	v5 =	vld [tilespmem:s15+$0xFFFFFFE0]  }
0xad: {  	v6 =	vbroadcast v2, $0x0  }
0xae: {  	v9 =	vld [tilespmem:s15+$0x10];
	v7 =	vbroadcast v2, $0x1  }
0xaf: {  	v8 =	vld [tilespmem:s15+$0x0];
	v10 =	vbroadcast v2, $0x2;
	v3 =	vmul.f32 v6, v3  }
0xb0: {  	v60 =	vld [tilespmem:s15+$0x20];
	v59 =	vbroadcast v2, $0x3;
	v4 =	vmul.f32 v4, v7  }
0xb1: {  	v11 =	vld [tilespmem:s15+$0x30];
	v61 =	vbroadcast v2, $0x5;
	v5 =	vmul.f32 v5, v10;
	[tilespmem:s15+$0xFFFFFFC0] =	vst v3  }
0xb2: {  	v1 =	vmul.f32 v1, v59;
	v3 =	vbroadcast v2, $0x4;
	[tilespmem:s15+$0xFFFFFFD0] =	vst v4  }
0xb3: {  	v62 =	vbroadcast v2, $0x6;
	v63 =	vmul.f32 v9, v61;
	[tilespmem:s15+$0xFFFFFFE0] =	vst v5  }
0xb4: {  	v2 =	vbroadcast v2, $0x7;
	[tilespmem:s15+$0xFFFFFFF0] =	vst v1;
	v3 =	vmul.f32 v8, v3  }
0xb5: {  	v1 =	vmul.f32 v60, v62;
	[tilespmem:s15+$0x10] =	vst v63  }
0xb6: {  	s14 =	sadd.s32 $0x1, s14;
	v2 =	vmul.f32 v11, v2;
	[tilespmem:s15+$0x0] =	vst v3  }
0xb7: {  	p0 =	sne.s32 s14, $0x28;
	[tilespmem:s16+$0x20] =	vst v1  }
.Ltmp3:
0xb8: {  	[tilespmem:s16+$0x30] =	vst v2;
	(pc) =	sbr.rel @p0 .LBB2_4-.Ltmp3, $4  }
0xb9: {  	[spmem:s3] =	stream.indirect.scatter.add.f32 [tilespmem:s23], [sflag:$0x4], $0x80, s28, s29, $0xb8;
	[tilespmem:$0x1D900] =	vst v63  }
0xba: {  	_ =	swait.ge [sflag:s24], $0x4000  }
0xbb: {  	[sflag:s24] =	ssyncset.done $0x0  }
0xbc: {  	[sflag:s24] =	ssyncadd.s32 $0xFFFFC000  }
0xbd: {  	s13 =	stileid.u32  }
0xbe: {  	s13 =	sshll.u32 s13, $0x6  }
0xbf: {  	[bflag:$0x0] =	sbarrier.arrive $0xFFFF;
	s14 =	sshrl.u32 s9, $0x3;
	s13 =	sor.u32 $0x1C04, s13  }
0xc0: {  	[hbm:s20], [sflag:s13] =	dma.local [spmem:s14], $0x2800  }
0xc1: {  	s5 =	sadd.s32 $0x1, s5;
	_ =	swait.ge [sflag:s24], $0x2800  }
0xc2: {  	p0 =	sne.s32 s5, s22;
	[sflag:s24] =	ssyncset.done $0x0  }
.Ltmp4:
0xc3: {  	s18 =	sshrl.u32 s10, $0x3;
	[sflag:s24] =	ssyncadd.s32 $0xFFFFD800;
	(pc) =	sbr.rel @p0 .LBB2_1-.Ltmp4, $4  }
0xc4: {  	[hbm:s21], [sflag:s13] =	dma.local [spmem:s18], $0x500  }
0xc5: {  	_ =	swait.ge [sflag:s24], $0x500  }
0xc6: {  	[sflag:s24] =	ssyncset.done $0x0  }
0xc7: {  	[sflag:s24] =	ssyncadd.s32 $0xFFFFFB00  }
0xc8: {  	_ =	sfence.sel $0x180000  }
0xc9: {  	[bflag:$0x0] =	sbarrier.arrive $0xFFFF  }
0xca: {  	_ =	strace $0x90000047  }
0xcb: {  	s0 =	stileid.u32;
	[bflag:$0x2] =	sbarrier.arrive $0xFFFF  }
0xcc: {  	p0 =	sne.s32 s0, $0x0;
	s0 =	rddreg [dreg:$0x4]  }
0xcd: {  	s0 =	sadd.s32 @!p0 $0x100000, s0  }
0xce: {  	[sflag:s0] =	ssyncadd.tile.s32 @!p0 $0x1;
	_ =	shalt  }
.Lfunc_end2:
_tile_overlayer_lowered:
.L_overlay_start_2:
0xcf: {  	(tag) =	ssettag $0x2  }
0xd0: {  	s0 =	rddreg [dreg:$0x0];
	s2 =	stileid.u32  }
0xd1: {  	s1 =	rddreg [dreg:$0x1];
	p0 =	sne.s32 s2, $0x0  }
0xd2: {  	s3 =	rddreg [dreg:$0x2];
	[bflag:$0x3] =	sbarrier.arrive $0xFFFF;
	s2 =	simm.s32 @!p0 $0x1C04  }
0xd3: {  	[timem:s3], [sflag:s2] =	dma.local @!p0 [hbm:s0], s1  }
0xd4: {  	s0 =	simm.s32 @!p0 $0x4  }
0xd5: {  	_ =	swait.ge @!p0 [sflag:s0], s1  }
0xd6: {  	s1 =	ssub.s32 @!p0 $0x0, s1;
	[sflag:s0] =	ssyncset.done @!p0 $0x0  }
0xd7: {  	[sflag:s0] =	ssyncadd.s32 @!p0 s1  }
0xd8: {  	[bflag:$0x3] =	sbarrier.arrive $0xFFFF  }
0xd9: {  	_ =	shalt  }

</sc_bundles>
